<compile_context>
chip_gen: v7x
topology: tpu7x:2x2x1
jax: 0.10.2.dev20260603
libtpu: 0.0.44.dev20260713+nightly
codegen_flags: <defaults>
</compile_context>

<pallas_src>
import functools

import jax
import jax.numpy as jnp
from jax import lax
from jax.experimental import pallas as pl
from jax.experimental.pallas import tpu as pltpu
from jax.experimental.pallas import tpu_sc as plsc

_L = 16


def _pos_embed_sc(row_embed, col_embed, B, H, W, D):
    C = 2 * D
    NW = 32
    assert H == NW and W <= col_embed.shape[0]
    NROW, DROW = row_embed.shape
    mesh = plsc.VectorSubcoreMesh(core_axis_name="c", subcore_axis_name="s")

    @functools.partial(
        pl.kernel,
        mesh=mesh,
        out_type=jax.ShapeDtypeStruct((B, H, W, C), jnp.float32),
        scratch_types=[
            pltpu.VMEM((1, DROW), jnp.float32),
            pltpu.VMEM((1, W, C), jnp.float32),
            pltpu.SemaphoreType.DMA,
            pltpu.SemaphoreType.DMA,
            pltpu.SemaphoreType.DMA,
        ],
    )
    def k(row_hbm, col_hbm, out_hbm, rowbuf, plane, sem, col_sem, row_sem):
        cid = lax.axis_index("c")
        sid = lax.axis_index("s")
        y = cid * 16 + sid

        cp_col = pltpu.async_copy(
            col_hbm.at[pl.ds(0, W)], plane.at[0, :, pl.ds(0, D)], col_sem
        )
        cp_row = pltpu.async_copy(row_hbm.at[pl.ds(y, 1)], rowbuf, row_sem)
        cp_row.wait()

        def _store_x(x, _):
            for j in range(D // _L):
                plane[0, x, pl.ds(D + j * _L, _L)] = rowbuf[0, pl.ds(j * _L, _L)]
            return 0

        lax.fori_loop(0, W, _store_x, 0)
        cp_col.wait()

        copies = [
            pltpu.async_copy(plane, out_hbm.at[b, pl.ds(y, 1)], sem)
            for b in range(B)
        ]
        for cp in copies:
            cp.wait()

    return k(row_embed, col_embed)


def kernel(x, row_embed, col_embed):
    B = x.shape[0]
    H, W = x.shape[-2], x.shape[-1]
    D = row_embed.shape[-1]
    out = _pos_embed_sc(row_embed, col_embed, B, H, W, D)
    return jnp.transpose(out, (0, 3, 1, 2))

# --- scband reference (transcript-rebuilt; emitter-appended) ---
"""Pipeline reference for scband-position-embedding-learned-23175643529404 (READ-ONLY COPY).

The authoritative reference and input builder live on the scoring server;
editing this copy changes nothing except your own understanding.
"""

import jax, jax.numpy as jnp
import numpy as np


def setup_inputs(seed: int = 0) -> dict:
    key = jax.random.key(seed)
    k1, k2, k3 = jax.random.split(key, 3)
    x = jax.random.normal(k1, (16, 768, 32, 32), dtype=jnp.float32)
    # learned embedding tables, init uniform [0,1) like nn.init.uniform_
    row_embed = jax.random.uniform(k2, (50, 384), dtype=jnp.float32)
    col_embed = jax.random.uniform(k3, (50, 384), dtype=jnp.float32)
    return {"x": x, "row_embed": row_embed, "col_embed": col_embed}


def reference(x, row_embed, col_embed):
    h, w = x.shape[-2], x.shape[-1]
    i = jnp.arange(w)
    j = jnp.arange(h)
    x_emb = jnp.take(col_embed, i, axis=0)  # [w, d]
    y_emb = jnp.take(row_embed, j, axis=0)  # [h, d]
    d = x_emb.shape[-1]
    x_rep = jnp.broadcast_to(x_emb[None, :, :], (h, w, d))  # repeat over rows
    y_rep = jnp.broadcast_to(y_emb[:, None, :], (h, w, d))  # repeat over cols
    pos = jnp.concatenate([x_rep, y_rep], axis=-1)  # [h, w, 2d]
    pos = jnp.transpose(pos, (2, 0, 1))[None]  # [1, 2d, h, w]
    pos = jnp.broadcast_to(pos, (x.shape[0],) + pos.shape[1:])  # [B, 2d, h, w]
    return pos

if __name__ == "__main__":
    import jax
    _d = setup_inputs()
    print(jax.jit(kernel)(*tuple(_d.values())))

</pallas_src>

<mosaic_0001>
#map = affine_map<(d0, d1) -> (0, 0)>
#map1 = affine_map<(d0, d1) -> (0, 0, 0, 0)>
module attributes {stable_mosaic.version = 14 : i64} {
  func.func @k(%arg0: i32, %arg1: i32, %arg2: memref<50x384xf32, #tpu.memory_space<hbm>>, %arg3: memref<50x384xf32, #tpu.memory_space<hbm>>, %arg4: memref<16x32x32x768xf32, #tpu.memory_space<hbm>>, %arg5: memref<1x384xf32, #tpu.memory_space<vmem>>, %arg6: memref<1x32x768xf32, #tpu.memory_space<vmem>>, %arg7: memref<!tpu.dma_semaphore, #tpu.memory_space<semaphore_mem>>, %arg8: memref<!tpu.dma_semaphore, #tpu.memory_space<semaphore_mem>>, %arg9: memref<!tpu.dma_semaphore, #tpu.memory_space<semaphore_mem>>) attributes {dimension_semantics = [#tpu.dimension_semantics<core_parallel>, #tpu.dimension_semantics<subcore_parallel>], iteration_bounds = array<i64: 2, 16>, scalar_prefetch = 0 : i64, scratch_operands = 5 : i64, tpu.core_type = #tpu.core_type<sc_vector_subcore>, window_params = [{transform_indices = #map}, {transform_indices = #map}, {transform_indices = #map1}]} {
    %mul3A = arith.constant 16 : i32
    %mul3A_0 = arith.muli %arg0, %mul3A : i32
    %add3A = arith.addi %mul3A_0, %arg1 : i32
    %dma_start3A = arith.constant 0 : i32
    %dma_start3A_1 = arith.constant 0 : i32
    %dma_start3A_2 = arith.constant 0 : i32
    %dma_start3A_3 = tpu.memref_slice %arg6[%dma_start3A, %dma_start3A_1, %dma_start3A_2] : memref<1x32x768xf32, #tpu.memory_space<vmem>> -> memref<1x32x384xf32, #tpu.memory_space<vmem>>
    %dma_start3A_4 = tpu.memref_squeeze %dma_start3A_3 : memref<1x32x384xf32, #tpu.memory_space<vmem>> -> memref<32x384xf32, #tpu.memory_space<vmem>>
    %dma_start3A_5 = arith.constant 0 : i32
    %dma_start3A_6 = arith.constant 0 : i32
    %dma_start3A_7 = tpu.memref_slice %arg3[%dma_start3A_5, %dma_start3A_6] : memref<50x384xf32, #tpu.memory_space<hbm>> -> memref<32x384xf32, #tpu.memory_space<hbm>>
    %dma_start3A_8 = arith.constant 0 : i32
    %dma_start3A_9 = arith.constant 0 : i32
    %dma_start3A_10 = tpu.memref_slice %arg6[%dma_start3A, %dma_start3A_8, %dma_start3A_9] : memref<1x32x768xf32, #tpu.memory_space<vmem>> -> memref<1x32x384xf32, #tpu.memory_space<vmem>>
    %dma_start3A_11 = tpu.memref_squeeze %dma_start3A_10 : memref<1x32x384xf32, #tpu.memory_space<vmem>> -> memref<32x384xf32, #tpu.memory_space<vmem>>
    %dma_start3A_12 = arith.constant 0 : i32
    %dma_start3A_13 = arith.constant 0 : i32
    %dma_start3A_14 = tpu.memref_slice %arg3[%dma_start3A_12, %dma_start3A_13] : memref<50x384xf32, #tpu.memory_space<hbm>> -> memref<32x384xf32, #tpu.memory_space<hbm>>
    tpu.enqueue_dma source(%dma_start3A_14 : memref<32x384xf32, #tpu.memory_space<hbm>>) target(%dma_start3A_11 : memref<32x384xf32, #tpu.memory_space<vmem>>) target_semaphore(%arg8 : memref<!tpu.dma_semaphore, #tpu.memory_space<semaphore_mem>>)
    %dma_start3A_15 = arith.constant 0 : i32
    %dma_start3A_16 = tpu.memref_slice %arg2[%add3A, %dma_start3A_15] : memref<50x384xf32, #tpu.memory_space<hbm>> -> memref<1x384xf32, #tpu.memory_space<hbm>>
    %dma_start3A_17 = arith.constant 0 : i32
    %dma_start3A_18 = tpu.memref_slice %arg2[%add3A, %dma_start3A_17] : memref<50x384xf32, #tpu.memory_space<hbm>> -> memref<1x384xf32, #tpu.memory_space<hbm>>
    tpu.enqueue_dma source(%dma_start3A_18 : memref<1x384xf32, #tpu.memory_space<hbm>>) target(%arg5 : memref<1x384xf32, #tpu.memory_space<vmem>>) target_semaphore(%arg9 : memref<!tpu.dma_semaphore, #tpu.memory_space<semaphore_mem>>)
    %dma_wait3A = arith.constant 0 : i32
    %dma_wait3A_19 = tpu.memref_slice %arg2[%add3A, %dma_wait3A] : memref<50x384xf32, #tpu.memory_space<hbm>> -> memref<1x384xf32, #tpu.memory_space<hbm>>
    %dma_wait3A_20 = arith.constant 0 : i32
    %dma_wait3A_21 = tpu.memref_slice %arg2[%add3A, %dma_wait3A_20] : memref<50x384xf32, #tpu.memory_space<hbm>> -> memref<1x384xf32, #tpu.memory_space<hbm>>
    tpu.wait_dma2 semaphore(%arg9 : memref<!tpu.dma_semaphore, #tpu.memory_space<semaphore_mem>>) src(%dma_wait3A_21 : memref<1x384xf32, #tpu.memory_space<hbm>>) dst(%arg5 : memref<1x384xf32, #tpu.memory_space<vmem>>)
    %scan3A = arith.constant 0 : i32
    %scan3A_22 = arith.constant 0 : i32
    %scan3A_23 = arith.constant 32 : i32
    %scan3A_24 = arith.addi %scan3A_22, %scan3A_23 : i32
    %scan3A_25 = arith.constant 1 : i32
    %scan3A_26 = scf.for %scan3A_331 = %scan3A_22 to %scan3A_24 step %scan3A_25 iter_args(%scan3A_332 = %scan3A) -> (i32)  : i32 {
      %get3A = arith.constant 0 : i32
      %get3A_333 = arith.index_cast %get3A : i32 to index
      %get3A_334 = arith.constant 0 : index
      %get3A_335 = tpu.vector_load %arg5[%get3A_333, %get3A_334] {strides = array<i32>} : memref<1x384xf32, #tpu.memory_space<vmem>>, vector<1x16xf32>,
      %get3A_336 = vector.shape_cast %get3A_335 : vector<1x16xf32> to vector<16xf32>
      %swap3A = arith.constant 0 : i32
      %swap3A_337 = arith.index_cast %swap3A : i32 to index
      %swap3A_338 = arith.index_cast %scan3A_331 : i32 to index
      %swap3A_339 = arith.constant 384 : index
      %swap3A_340 = tpu.vector_load %arg6[%swap3A_337, %swap3A_338, %swap3A_339] {strides = array<i32>} : memref<1x32x768xf32, #tpu.memory_space<vmem>>, vector<1x1x16xf32>,
      %swap3A_341 = vector.shape_cast %swap3A_340 : vector<1x1x16xf32> to vector<16xf32>
      %swap3A_342 = vector.shape_cast %get3A_336 : vector<16xf32> to vector<1x1x16xf32>
      tpu.vector_store %arg6[%swap3A_337, %swap3A_338, %swap3A_339], %swap3A_342 {strides = array<i32>} : memref<1x32x768xf32, #tpu.memory_space<vmem>>, vector<1x1x16xf32>,
      %get3A_343 = arith.constant 0 : i32
      %get3A_344 = arith.index_cast %get3A_343 : i32 to index
      %get3A_345 = arith.constant 16 : index
      %get3A_346 = tpu.vector_load %arg5[%get3A_344, %get3A_345] {strides = array<i32>} : memref<1x384xf32, #tpu.memory_space<vmem>>, vector<1x16xf32>,
      %get3A_347 = vector.shape_cast %get3A_346 : vector<1x16xf32> to vector<16xf32>
      %swap3A_348 = arith.constant 0 : i32
      %swap3A_349 = arith.index_cast %swap3A_348 : i32 to index
      %swap3A_350 = arith.index_cast %scan3A_331 : i32 to index
      %swap3A_351 = arith.constant 400 : index
      %swap3A_352 = tpu.vector_load %arg6[%swap3A_349, %swap3A_350, %swap3A_351] {strides = array<i32>} : memref<1x32x768xf32, #tpu.memory_space<vmem>>, vector<1x1x16xf32>,
      %swap3A_353 = vector.shape_cast %swap3A_352 : vector<1x1x16xf32> to vector<16xf32>
      %swap3A_354 = vector.shape_cast %get3A_347 : vector<16xf32> to vector<1x1x16xf32>
      tpu.vector_store %arg6[%swap3A_349, %swap3A_350, %swap3A_351], %swap3A_354 {strides = array<i32>} : memref<1x32x768xf32, #tpu.memory_space<vmem>>, vector<1x1x16xf32>,
      %get3A_355 = arith.constant 0 : i32
      %get3A_356 = arith.index_cast %get3A_355 : i32 to index
      %get3A_357 = arith.constant 32 : index
      %get3A_358 = tpu.vector_load %arg5[%get3A_356, %get3A_357] {strides = array<i32>} : memref<1x384xf32, #tpu.memory_space<vmem>>, vector<1x16xf32>,
      %get3A_359 = vector.shape_cast %get3A_358 : vector<1x16xf32> to vector<16xf32>
      %swap3A_360 = arith.constant 0 : i32
      %swap3A_361 = arith.index_cast %swap3A_360 : i32 to index
      %swap3A_362 = arith.index_cast %scan3A_331 : i32 to index
      %swap3A_363 = arith.constant 416 : index
      %swap3A_364 = tpu.vector_load %arg6[%swap3A_361, %swap3A_362, %swap3A_363] {strides = array<i32>} : memref<1x32x768xf32, #tpu.memory_space<vmem>>, vector<1x1x16xf32>,
      %swap3A_365 = vector.shape_cast %swap3A_364 : vector<1x1x16xf32> to vector<16xf32>
      %swap3A_366 = vector.shape_cast %get3A_359 : vector<16xf32> to vector<1x1x16xf32>
      tpu.vector_store %arg6[%swap3A_361, %swap3A_362, %swap3A_363], %swap3A_366 {strides = array<i32>} : memref<1x32x768xf32, #tpu.memory_space<vmem>>, vector<1x1x16xf32>,
      %get3A_367 = arith.constant 0 : i32
      %get3A_368 = arith.index_cast %get3A_367 : i32 to index
      %get3A_369 = arith.constant 48 : index
      %get3A_370 = tpu.vector_load %arg5[%get3A_368, %get3A_369] {strides = array<i32>} : memref<1x384xf32, #tpu.memory_space<vmem>>, vector<1x16xf32>,
      %get3A_371 = vector.shape_cast %get3A_370 : vector<1x16xf32> to vector<16xf32>
      %swap3A_372 = arith.constant 0 : i32
      %swap3A_373 = arith.index_cast %swap3A_372 : i32 to index
      %swap3A_374 = arith.index_cast %scan3A_331 : i32 to index
      %swap3A_375 = arith.constant 432 : index
      %swap3A_376 = tpu.vector_load %arg6[%swap3A_373, %swap3A_374, %swap3A_375] {strides = array<i32>} : memref<1x32x768xf32, #tpu.memory_space<vmem>>, vector<1x1x16xf32>,
      %swap3A_377 = vector.shape_cast %swap3A_376 : vector<1x1x16xf32> to vector<16xf32>
      %swap3A_378 = vector.shape_cast %get3A_371 : vector<16xf32> to vector<1x1x16xf32>
      tpu.vector_store %arg6[%swap3A_373, %swap3A_374, %swap3A_375], %swap3A_378 {strides = array<i32>} : memref<1x32x768xf32, #tpu.memory_space<vmem>>, vector<1x1x16xf32>,
      %get3A_379 = arith.constant 0 : i32
      %get3A_380 = arith.index_cast %get3A_379 : i32 to index
      %get3A_381 = arith.constant 64 : index
      %get3A_382 = tpu.vector_load %arg5[%get3A_380, %get3A_381] {strides = array<i32>} : memref<1x384xf32, #tpu.memory_space<vmem>>, vector<1x16xf32>,
      %get3A_383 = vector.shape_cast %get3A_382 : vector<1x16xf32> to vector<16xf32>
      %swap3A_384 = arith.constant 0 : i32
      %swap3A_385 = arith.index_cast %swap3A_384 : i32 to index
      %swap3A_386 = arith.index_cast %scan3A_331 : i32 to index
      %swap3A_387 = arith.constant 448 : index
      %swap3A_388 = tpu.vector_load %arg6[%swap3A_385, %swap3A_386, %swap3A_387] {strides = array<i32>} : memref<1x32x768xf32, #tpu.memory_space<vmem>>, vector<1x1x16xf32>,
      %swap3A_389 = vector.shape_cast %swap3A_388 : vector<1x1x16xf32> to vector<16xf32>
      %swap3A_390 = vector.shape_cast %get3A_383 : vector<16xf32> to vector<1x1x16xf32>
      tpu.vector_store %arg6[%swap3A_385, %swap3A_386, %swap3A_387], %swap3A_390 {strides = array<i32>} : memref<1x32x768xf32, #tpu.memory_space<vmem>>, vector<1x1x16xf32>,
      %get3A_391 = arith.constant 0 : i32
      %get3A_392 = arith.index_cast %get3A_391 : i32 to index
      %get3A_393 = arith.constant 80 : index
      %get3A_394 = tpu.vector_load %arg5[%get3A_392, %get3A_393] {strides = array<i32>} : memref<1x384xf32, #tpu.memory_space<vmem>>, vector<1x16xf32>,
      %get3A_395 = vector.shape_cast %get3A_394 : vector<1x16xf32> to vector<16xf32>
      %swap3A_396 = arith.constant 0 : i32
      %swap3A_397 = arith.index_cast %swap3A_396 : i32 to index
      %swap3A_398 = arith.index_cast %scan3A_331 : i32 to index
      %swap3A_399 = arith.constant 464 : index
      %swap3A_400 = tpu.vector_load %arg6[%swap3A_397, %swap3A_398, %swap3A_399] {strides = array<i32>} : memref<1x32x768xf32, #tpu.memory_space<vmem>>, vector<1x1x16xf32>,
      %swap3A_401 = vector.shape_cast %swap3A_400 : vector<1x1x16xf32> to vector<16xf32>
      %swap3A_402 = vector.shape_cast %get3A_395 : vector<16xf32> to vector<1x1x16xf32>
      tpu.vector_store %arg6[%swap3A_397, %swap3A_398, %swap3A_399], %swap3A_402 {strides = array<i32>} : memref<1x32x768xf32, #tpu.memory_space<vmem>>, vector<1x1x16xf32>,
      %get3A_403 = arith.constant 0 : i32
      %get3A_404 = arith.index_cast %get3A_403 : i32 to index
      %get3A_405 = arith.constant 96 : index
      %get3A_406 = tpu.vector_load %arg5[%get3A_404, %get3A_405] {strides = array<i32>} : memref<1x384xf32, #tpu.memory_space<vmem>>, vector<1x16xf32>,
      %get3A_407 = vector.shape_cast %get3A_406 : vector<1x16xf32> to vector<16xf32>
      %swap3A_408 = arith.constant 0 : i32
      %swap3A_409 = arith.index_cast %swap3A_408 : i32 to index
      %swap3A_410 = arith.index_cast %scan3A_331 : i32 to index
      %swap3A_411 = arith.constant 480 : index
      %swap3A_412 = tpu.vector_load %arg6[%swap3A_409, %swap3A_410, %swap3A_411] {strides = array<i32>} : memref<1x32x768xf32, #tpu.memory_space<vmem>>, vector<1x1x16xf32>,
      %swap3A_413 = vector.shape_cast %swap3A_412 : vector<1x1x16xf32> to vector<16xf32>
      %swap3A_414 = vector.shape_cast %get3A_407 : vector<16xf32> to vector<1x1x16xf32>
      tpu.vector_store %arg6[%swap3A_409, %swap3A_410, %swap3A_411], %swap3A_414 {strides = array<i32>} : memref<1x32x768xf32, #tpu.memory_space<vmem>>, vector<1x1x16xf32>,
      %get3A_415 = arith.constant 0 : i32
      %get3A_416 = arith.index_cast %get3A_415 : i32 to index
      %get3A_417 = arith.constant 112 : index
      %get3A_418 = tpu.vector_load %arg5[%get3A_416, %get3A_417] {strides = array<i32>} : memref<1x384xf32, #tpu.memory_space<vmem>>, vector<1x16xf32>,
      %get3A_419 = vector.shape_cast %get3A_418 : vector<1x16xf32> to vector<16xf32>
      %swap3A_420 = arith.constant 0 : i32
      %swap3A_421 = arith.index_cast %swap3A_420 : i32 to index
      %swap3A_422 = arith.index_cast %scan3A_331 : i32 to index
      %swap3A_423 = arith.constant 496 : index
      %swap3A_424 = tpu.vector_load %arg6[%swap3A_421, %swap3A_422, %swap3A_423] {strides = array<i32>} : memref<1x32x768xf32, #tpu.memory_space<vmem>>, vector<1x1x16xf32>,
      %swap3A_425 = vector.shape_cast %swap3A_424 : vector<1x1x16xf32> to vector<16xf32>
      %swap3A_426 = vector.shape_cast %get3A_419 : vector<16xf32> to vector<1x1x16xf32>
      tpu.vector_store %arg6[%swap3A_421, %swap3A_422, %swap3A_423], %swap3A_426 {strides = array<i32>} : memref<1x32x768xf32, #tpu.memory_space<vmem>>, vector<1x1x16xf32>,
      %get3A_427 = arith.constant 0 : i32
      %get3A_428 = arith.index_cast %get3A_427 : i32 to index
      %get3A_429 = arith.constant 128 : index
      %get3A_430 = tpu.vector_load %arg5[%get3A_428, %get3A_429] {strides = array<i32>} : memref<1x384xf32, #tpu.memory_space<vmem>>, vector<1x16xf32>,
      %get3A_431 = vector.shape_cast %get3A_430 : vector<1x16xf32> to vector<16xf32>
      %swap3A_432 = arith.constant 0 : i32
      %swap3A_433 = arith.index_cast %swap3A_432 : i32 to index
      %swap3A_434 = arith.index_cast %scan3A_331 : i32 to index
      %swap3A_435 = arith.constant 512 : index
      %swap3A_436 = tpu.vector_load %arg6[%swap3A_433, %swap3A_434, %swap3A_435] {strides = array<i32>} : memref<1x32x768xf32, #tpu.memory_space<vmem>>, vector<1x1x16xf32>,
      %swap3A_437 = vector.shape_cast %swap3A_436 : vector<1x1x16xf32> to vector<16xf32>
      %swap3A_438 = vector.shape_cast %get3A_431 : vector<16xf32> to vector<1x1x16xf32>
      tpu.vector_store %arg6[%swap3A_433, %swap3A_434, %swap3A_435], %swap3A_438 {strides = array<i32>} : memref<1x32x768xf32, #tpu.memory_space<vmem>>, vector<1x1x16xf32>,
      %get3A_439 = arith.constant 0 : i32
      %get3A_440 = arith.index_cast %get3A_439 : i32 to index
      %get3A_441 = arith.constant 144 : index
      %get3A_442 = tpu.vector_load %arg5[%get3A_440, %get3A_441] {strides = array<i32>} : memref<1x384xf32, #tpu.memory_space<vmem>>, vector<1x16xf32>,
      %get3A_443 = vector.shape_cast %get3A_442 : vector<1x16xf32> to vector<16xf32>
      %swap3A_444 = arith.constant 0 : i32
      %swap3A_445 = arith.index_cast %swap3A_444 : i32 to index
      %swap3A_446 = arith.index_cast %scan3A_331 : i32 to index
      %swap3A_447 = arith.constant 528 : index
      %swap3A_448 = tpu.vector_load %arg6[%swap3A_445, %swap3A_446, %swap3A_447] {strides = array<i32>} : memref<1x32x768xf32, #tpu.memory_space<vmem>>, vector<1x1x16xf32>,
      %swap3A_449 = vector.shape_cast %swap3A_448 : vector<1x1x16xf32> to vector<16xf32>
      %swap3A_450 = vector.shape_cast %get3A_443 : vector<16xf32> to vector<1x1x16xf32>
      tpu.vector_store %arg6[%swap3A_445, %swap3A_446, %swap3A_447], %swap3A_450 {strides = array<i32>} : memref<1x32x768xf32, #tpu.memory_space<vmem>>, vector<1x1x16xf32>,
      %get3A_451 = arith.constant 0 : i32
      %get3A_452 = arith.index_cast %get3A_451 : i32 to index
      %get3A_453 = arith.constant 160 : index
      %get3A_454 = tpu.vector_load %arg5[%get3A_452, %get3A_453] {strides = array<i32>} : memref<1x384xf32, #tpu.memory_space<vmem>>, vector<1x16xf32>,
      %get3A_455 = vector.shape_cast %get3A_454 : vector<1x16xf32> to vector<16xf32>
      %swap3A_456 = arith.constant 0 : i32
      %swap3A_457 = arith.index_cast %swap3A_456 : i32 to index
      %swap3A_458 = arith.index_cast %scan3A_331 : i32 to index
      %swap3A_459 = arith.constant 544 : index
      %swap3A_460 = tpu.vector_load %arg6[%swap3A_457, %swap3A_458, %swap3A_459] {strides = array<i32>} : memref<1x32x768xf32, #tpu.memory_space<vmem>>, vector<1x1x16xf32>,
      %swap3A_461 = vector.shape_cast %swap3A_460 : vector<1x1x16xf32> to vector<16xf32>
      %swap3A_462 = vector.shape_cast %get3A_455 : vector<16xf32> to vector<1x1x16xf32>
      tpu.vector_store %arg6[%swap3A_457, %swap3A_458, %swap3A_459], %swap3A_462 {strides = array<i32>} : memref<1x32x768xf32, #tpu.memory_space<vmem>>, vector<1x1x16xf32>,
      %get3A_463 = arith.constant 0 : i32
      %get3A_464 = arith.index_cast %get3A_463 : i32 to index
      %get3A_465 = arith.constant 176 : index
      %get3A_466 = tpu.vector_load %arg5[%get3A_464, %get3A_465] {strides = array<i32>} : memref<1x384xf32, #tpu.memory_space<vmem>>, vector<1x16xf32>,
      %get3A_467 = vector.shape_cast %get3A_466 : vector<1x16xf32> to vector<16xf32>
      %swap3A_468 = arith.constant 0 : i32
      %swap3A_469 = arith.index_cast %swap3A_468 : i32 to index
      %swap3A_470 = arith.index_cast %scan3A_331 : i32 to index
      %swap3A_471 = arith.constant 560 : index
      %swap3A_472 = tpu.vector_load %arg6[%swap3A_469, %swap3A_470, %swap3A_471] {strides = array<i32>} : memref<1x32x768xf32, #tpu.memory_space<vmem>>, vector<1x1x16xf32>,
      %swap3A_473 = vector.shape_cast %swap3A_472 : vector<1x1x16xf32> to vector<16xf32>
      %swap3A_474 = vector.shape_cast %get3A_467 : vector<16xf32> to vector<1x1x16xf32>
      tpu.vector_store %arg6[%swap3A_469, %swap3A_470, %swap3A_471], %swap3A_474 {strides = array<i32>} : memref<1x32x768xf32, #tpu.memory_space<vmem>>, vector<1x1x16xf32>,
      %get3A_475 = arith.constant 0 : i32
      %get3A_476 = arith.index_cast %get3A_475 : i32 to index
      %get3A_477 = arith.constant 192 : index
      %get3A_478 = tpu.vector_load %arg5[%get3A_476, %get3A_477] {strides = array<i32>} : memref<1x384xf32, #tpu.memory_space<vmem>>, vector<1x16xf32>,
      %get3A_479 = vector.shape_cast %get3A_478 : vector<1x16xf32> to vector<16xf32>
      %swap3A_480 = arith.constant 0 : i32
      %swap3A_481 = arith.index_cast %swap3A_480 : i32 to index
      %swap3A_482 = arith.index_cast %scan3A_331 : i32 to index
      %swap3A_483 = arith.constant 576 : index
      %swap3A_484 = tpu.vector_load %arg6[%swap3A_481, %swap3A_482, %swap3A_483] {strides = array<i32>} : memref<1x32x768xf32, #tpu.memory_space<vmem>>, vector<1x1x16xf32>,
      %swap3A_485 = vector.shape_cast %swap3A_484 : vector<1x1x16xf32> to vector<16xf32>
      %swap3A_486 = vector.shape_cast %get3A_479 : vector<16xf32> to vector<1x1x16xf32>
      tpu.vector_store %arg6[%swap3A_481, %swap3A_482, %swap3A_483], %swap3A_486 {strides = array<i32>} : memref<1x32x768xf32, #tpu.memory_space<vmem>>, vector<1x1x16xf32>,
      %get3A_487 = arith.constant 0 : i32
      %get3A_488 = arith.index_cast %get3A_487 : i32 to index
      %get3A_489 = arith.constant 208 : index
      %get3A_490 = tpu.vector_load %arg5[%get3A_488, %get3A_489] {strides = array<i32>} : memref<1x384xf32, #tpu.memory_space<vmem>>, vector<1x16xf32>,
      %get3A_491 = vector.shape_cast %get3A_490 : vector<1x16xf32> to vector<16xf32>
      %swap3A_492 = arith.constant 0 : i32
      %swap3A_493 = arith.index_cast %swap3A_492 : i32 to index
      %swap3A_494 = arith.index_cast %scan3A_331 : i32 to index
      %swap3A_495 = arith.constant 592 : index
      %swap3A_496 = tpu.vector_load %arg6[%swap3A_493, %swap3A_494, %swap3A_495] {strides = array<i32>} : memref<1x32x768xf32, #tpu.memory_space<vmem>>, vector<1x1x16xf32>,
      %swap3A_497 = vector.shape_cast %swap3A_496 : vector<1x1x16xf32> to vector<16xf32>
      %swap3A_498 = vector.shape_cast %get3A_491 : vector<16xf32> to vector<1x1x16xf32>
      tpu.vector_store %arg6[%swap3A_493, %swap3A_494, %swap3A_495], %swap3A_498 {strides = array<i32>} : memref<1x32x768xf32, #tpu.memory_space<vmem>>, vector<1x1x16xf32>,
      %get3A_499 = arith.constant 0 : i32
      %get3A_500 = arith.index_cast %get3A_499 : i32 to index
      %get3A_501 = arith.constant 224 : index
      %get3A_502 = tpu.vector_load %arg5[%get3A_500, %get3A_501] {strides = array<i32>} : memref<1x384xf32, #tpu.memory_space<vmem>>, vector<1x16xf32>,
      %get3A_503 = vector.shape_cast %get3A_502 : vector<1x16xf32> to vector<16xf32>
      %swap3A_504 = arith.constant 0 : i32
      %swap3A_505 = arith.index_cast %swap3A_504 : i32 to index
      %swap3A_506 = arith.index_cast %scan3A_331 : i32 to index
      %swap3A_507 = arith.constant 608 : index
      %swap3A_508 = tpu.vector_load %arg6[%swap3A_505, %swap3A_506, %swap3A_507] {strides = array<i32>} : memref<1x32x768xf32, #tpu.memory_space<vmem>>, vector<1x1x16xf32>,
      %swap3A_509 = vector.shape_cast %swap3A_508 : vector<1x1x16xf32> to vector<16xf32>
      %swap3A_510 = vector.shape_cast %get3A_503 : vector<16xf32> to vector<1x1x16xf32>
      tpu.vector_store %arg6[%swap3A_505, %swap3A_506, %swap3A_507], %swap3A_510 {strides = array<i32>} : memref<1x32x768xf32, #tpu.memory_space<vmem>>, vector<1x1x16xf32>,
      %get3A_511 = arith.constant 0 : i32
      %get3A_512 = arith.index_cast %get3A_511 : i32 to index
      %get3A_513 = arith.constant 240 : index
      %get3A_514 = tpu.vector_load %arg5[%get3A_512, %get3A_513] {strides = array<i32>} : memref<1x384xf32, #tpu.memory_space<vmem>>, vector<1x16xf32>,
      %get3A_515 = vector.shape_cast %get3A_514 : vector<1x16xf32> to vector<16xf32>
      %swap3A_516 = arith.constant 0 : i32
      %swap3A_517 = arith.index_cast %swap3A_516 : i32 to index
      %swap3A_518 = arith.index_cast %scan3A_331 : i32 to index
      %swap3A_519 = arith.constant 624 : index
      %swap3A_520 = tpu.vector_load %arg6[%swap3A_517, %swap3A_518, %swap3A_519] {strides = array<i32>} : memref<1x32x768xf32, #tpu.memory_space<vmem>>, vector<1x1x16xf32>,
      %swap3A_521 = vector.shape_cast %swap3A_520 : vector<1x1x16xf32> to vector<16xf32>
      %swap3A_522 = vector.shape_cast %get3A_515 : vector<16xf32> to vector<1x1x16xf32>
      tpu.vector_store %arg6[%swap3A_517, %swap3A_518, %swap3A_519], %swap3A_522 {strides = array<i32>} : memref<1x32x768xf32, #tpu.memory_space<vmem>>, vector<1x1x16xf32>,
      %get3A_523 = arith.constant 0 : i32
      %get3A_524 = arith.index_cast %get3A_523 : i32 to index
      %get3A_525 = arith.constant 256 : index
      %get3A_526 = tpu.vector_load %arg5[%get3A_524, %get3A_525] {strides = array<i32>} : memref<1x384xf32, #tpu.memory_space<vmem>>, vector<1x16xf32>,
      %get3A_527 = vector.shape_cast %get3A_526 : vector<1x16xf32> to vector<16xf32>
      %swap3A_528 = arith.constant 0 : i32
      %swap3A_529 = arith.index_cast %swap3A_528 : i32 to index
      %swap3A_530 = arith.index_cast %scan3A_331 : i32 to index
      %swap3A_531 = arith.constant 640 : index
      %swap3A_532 = tpu.vector_load %arg6[%swap3A_529, %swap3A_530, %swap3A_531] {strides = array<i32>} : memref<1x32x768xf32, #tpu.memory_space<vmem>>, vector<1x1x16xf32>,
      %swap3A_533 = vector.shape_cast %swap3A_532 : vector<1x1x16xf32> to vector<16xf32>
      %swap3A_534 = vector.shape_cast %get3A_527 : vector<16xf32> to vector<1x1x16xf32>
      tpu.vector_store %arg6[%swap3A_529, %swap3A_530, %swap3A_531], %swap3A_534 {strides = array<i32>} : memref<1x32x768xf32, #tpu.memory_space<vmem>>, vector<1x1x16xf32>,
      %get3A_535 = arith.constant 0 : i32
      %get3A_536 = arith.index_cast %get3A_535 : i32 to index
      %get3A_537 = arith.constant 272 : index
      %get3A_538 = tpu.vector_load %arg5[%get3A_536, %get3A_537] {strides = array<i32>} : memref<1x384xf32, #tpu.memory_space<vmem>>, vector<1x16xf32>,
      %get3A_539 = vector.shape_cast %get3A_538 : vector<1x16xf32> to vector<16xf32>
      %swap3A_540 = arith.constant 0 : i32
      %swap3A_541 = arith.index_cast %swap3A_540 : i32 to index
      %swap3A_542 = arith.index_cast %scan3A_331 : i32 to index
      %swap3A_543 = arith.constant 656 : index
      %swap3A_544 = tpu.vector_load %arg6[%swap3A_541, %swap3A_542, %swap3A_543] {strides = array<i32>} : memref<1x32x768xf32, #tpu.memory_space<vmem>>, vector<1x1x16xf32>,
      %swap3A_545 = vector.shape_cast %swap3A_544 : vector<1x1x16xf32> to vector<16xf32>
      %swap3A_546 = vector.shape_cast %get3A_539 : vector<16xf32> to vector<1x1x16xf32>
      tpu.vector_store %arg6[%swap3A_541, %swap3A_542, %swap3A_543], %swap3A_546 {strides = array<i32>} : memref<1x32x768xf32, #tpu.memory_space<vmem>>, vector<1x1x16xf32>,
      %get3A_547 = arith.constant 0 : i32
      %get3A_548 = arith.index_cast %get3A_547 : i32 to index
      %get3A_549 = arith.constant 288 : index
      %get3A_550 = tpu.vector_load %arg5[%get3A_548, %get3A_549] {strides = array<i32>} : memref<1x384xf32, #tpu.memory_space<vmem>>, vector<1x16xf32>,
      %get3A_551 = vector.shape_cast %get3A_550 : vector<1x16xf32> to vector<16xf32>
      %swap3A_552 = arith.constant 0 : i32
      %swap3A_553 = arith.index_cast %swap3A_552 : i32 to index
      %swap3A_554 = arith.index_cast %scan3A_331 : i32 to index
      %swap3A_555 = arith.constant 672 : index
      %swap3A_556 = tpu.vector_load %arg6[%swap3A_553, %swap3A_554, %swap3A_555] {strides = array<i32>} : memref<1x32x768xf32, #tpu.memory_space<vmem>>, vector<1x1x16xf32>,
      %swap3A_557 = vector.shape_cast %swap3A_556 : vector<1x1x16xf32> to vector<16xf32>
      %swap3A_558 = vector.shape_cast %get3A_551 : vector<16xf32> to vector<1x1x16xf32>
      tpu.vector_store %arg6[%swap3A_553, %swap3A_554, %swap3A_555], %swap3A_558 {strides = array<i32>} : memref<1x32x768xf32, #tpu.memory_space<vmem>>, vector<1x1x16xf32>,
      %get3A_559 = arith.constant 0 : i32
      %get3A_560 = arith.index_cast %get3A_559 : i32 to index
      %get3A_561 = arith.constant 304 : index
      %get3A_562 = tpu.vector_load %arg5[%get3A_560, %get3A_561] {strides = array<i32>} : memref<1x384xf32, #tpu.memory_space<vmem>>, vector<1x16xf32>,
      %get3A_563 = vector.shape_cast %get3A_562 : vector<1x16xf32> to vector<16xf32>
      %swap3A_564 = arith.constant 0 : i32
      %swap3A_565 = arith.index_cast %swap3A_564 : i32 to index
      %swap3A_566 = arith.index_cast %scan3A_331 : i32 to index
      %swap3A_567 = arith.constant 688 : index
      %swap3A_568 = tpu.vector_load %arg6[%swap3A_565, %swap3A_566, %swap3A_567] {strides = array<i32>} : memref<1x32x768xf32, #tpu.memory_space<vmem>>, vector<1x1x16xf32>,
      %swap3A_569 = vector.shape_cast %swap3A_568 : vector<1x1x16xf32> to vector<16xf32>
      %swap3A_570 = vector.shape_cast %get3A_563 : vector<16xf32> to vector<1x1x16xf32>
      tpu.vector_store %arg6[%swap3A_565, %swap3A_566, %swap3A_567], %swap3A_570 {strides = array<i32>} : memref<1x32x768xf32, #tpu.memory_space<vmem>>, vector<1x1x16xf32>,
      %get3A_571 = arith.constant 0 : i32
      %get3A_572 = arith.index_cast %get3A_571 : i32 to index
      %get3A_573 = arith.constant 320 : index
      %get3A_574 = tpu.vector_load %arg5[%get3A_572, %get3A_573] {strides = array<i32>} : memref<1x384xf32, #tpu.memory_space<vmem>>, vector<1x16xf32>,
      %get3A_575 = vector.shape_cast %get3A_574 : vector<1x16xf32> to vector<16xf32>
      %swap3A_576 = arith.constant 0 : i32
      %swap3A_577 = arith.index_cast %swap3A_576 : i32 to index
      %swap3A_578 = arith.index_cast %scan3A_331 : i32 to index
      %swap3A_579 = arith.constant 704 : index
      %swap3A_580 = tpu.vector_load %arg6[%swap3A_577, %swap3A_578, %swap3A_579] {strides = array<i32>} : memref<1x32x768xf32, #tpu.memory_space<vmem>>, vector<1x1x16xf32>,
      %swap3A_581 = vector.shape_cast %swap3A_580 : vector<1x1x16xf32> to vector<16xf32>
      %swap3A_582 = vector.shape_cast %get3A_575 : vector<16xf32> to vector<1x1x16xf32>
      tpu.vector_store %arg6[%swap3A_577, %swap3A_578, %swap3A_579], %swap3A_582 {strides = array<i32>} : memref<1x32x768xf32, #tpu.memory_space<vmem>>, vector<1x1x16xf32>,
      %get3A_583 = arith.constant 0 : i32
      %get3A_584 = arith.index_cast %get3A_583 : i32 to index
      %get3A_585 = arith.constant 336 : index
      %get3A_586 = tpu.vector_load %arg5[%get3A_584, %get3A_585] {strides = array<i32>} : memref<1x384xf32, #tpu.memory_space<vmem>>, vector<1x16xf32>,
      %get3A_587 = vector.shape_cast %get3A_586 : vector<1x16xf32> to vector<16xf32>
      %swap3A_588 = arith.constant 0 : i32
      %swap3A_589 = arith.index_cast %swap3A_588 : i32 to index
      %swap3A_590 = arith.index_cast %scan3A_331 : i32 to index
      %swap3A_591 = arith.constant 720 : index
      %swap3A_592 = tpu.vector_load %arg6[%swap3A_589, %swap3A_590, %swap3A_591] {strides = array<i32>} : memref<1x32x768xf32, #tpu.memory_space<vmem>>, vector<1x1x16xf32>,
      %swap3A_593 = vector.shape_cast %swap3A_592 : vector<1x1x16xf32> to vector<16xf32>
      %swap3A_594 = vector.shape_cast %get3A_587 : vector<16xf32> to vector<1x1x16xf32>
      tpu.vector_store %arg6[%swap3A_589, %swap3A_590, %swap3A_591], %swap3A_594 {strides = array<i32>} : memref<1x32x768xf32, #tpu.memory_space<vmem>>, vector<1x1x16xf32>,
      %get3A_595 = arith.constant 0 : i32
      %get3A_596 = arith.index_cast %get3A_595 : i32 to index
      %get3A_597 = arith.constant 352 : index
      %get3A_598 = tpu.vector_load %arg5[%get3A_596, %get3A_597] {strides = array<i32>} : memref<1x384xf32, #tpu.memory_space<vmem>>, vector<1x16xf32>,
      %get3A_599 = vector.shape_cast %get3A_598 : vector<1x16xf32> to vector<16xf32>
      %swap3A_600 = arith.constant 0 : i32
      %swap3A_601 = arith.index_cast %swap3A_600 : i32 to index
      %swap3A_602 = arith.index_cast %scan3A_331 : i32 to index
      %swap3A_603 = arith.constant 736 : index
      %swap3A_604 = tpu.vector_load %arg6[%swap3A_601, %swap3A_602, %swap3A_603] {strides = array<i32>} : memref<1x32x768xf32, #tpu.memory_space<vmem>>, vector<1x1x16xf32>,
      %swap3A_605 = vector.shape_cast %swap3A_604 : vector<1x1x16xf32> to vector<16xf32>
      %swap3A_606 = vector.shape_cast %get3A_599 : vector<16xf32> to vector<1x1x16xf32>
      tpu.vector_store %arg6[%swap3A_601, %swap3A_602, %swap3A_603], %swap3A_606 {strides = array<i32>} : memref<1x32x768xf32, #tpu.memory_space<vmem>>, vector<1x1x16xf32>,
      %get3A_607 = arith.constant 0 : i32
      %get3A_608 = arith.index_cast %get3A_607 : i32 to index
      %get3A_609 = arith.constant 368 : index
      %get3A_610 = tpu.vector_load %arg5[%get3A_608, %get3A_609] {strides = array<i32>} : memref<1x384xf32, #tpu.memory_space<vmem>>, vector<1x16xf32>,
      %get3A_611 = vector.shape_cast %get3A_610 : vector<1x16xf32> to vector<16xf32>
      %swap3A_612 = arith.constant 0 : i32
      %swap3A_613 = arith.index_cast %swap3A_612 : i32 to index
      %swap3A_614 = arith.index_cast %scan3A_331 : i32 to index
      %swap3A_615 = arith.constant 752 : index
      %swap3A_616 = tpu.vector_load %arg6[%swap3A_613, %swap3A_614, %swap3A_615] {strides = array<i32>} : memref<1x32x768xf32, #tpu.memory_space<vmem>>, vector<1x1x16xf32>,
      %swap3A_617 = vector.shape_cast %swap3A_616 : vector<1x1x16xf32> to vector<16xf32>
      %swap3A_618 = vector.shape_cast %get3A_611 : vector<16xf32> to vector<1x1x16xf32>
      tpu.vector_store %arg6[%swap3A_613, %swap3A_614, %swap3A_615], %swap3A_618 {strides = array<i32>} : memref<1x32x768xf32, #tpu.memory_space<vmem>>, vector<1x1x16xf32>,
      %scan3A_619 = arith.constant 0 : i32
      scf.yield %scan3A_619 : i32
    }
    %scan3A_27 = arith.constant 32 : i32
    %dma_wait3A_28 = arith.constant 0 : i32
    %dma_wait3A_29 = arith.constant 0 : i32
    %dma_wait3A_30 = arith.constant 0 : i32
    %dma_wait3A_31 = tpu.memref_slice %arg6[%dma_wait3A_28, %dma_wait3A_29, %dma_wait3A_30] : memref<1x32x768xf32, #tpu.memory_space<vmem>> -> memref<1x32x384xf32, #tpu.memory_space<vmem>>
    %dma_wait3A_32 = tpu.memref_squeeze %dma_wait3A_31 : memref<1x32x384xf32, #tpu.memory_space<vmem>> -> memref<32x384xf32, #tpu.memory_space<vmem>>
    %dma_wait3A_33 = arith.constant 0 : i32
    %dma_wait3A_34 = arith.constant 0 : i32
    %dma_wait3A_35 = tpu.memref_slice %arg3[%dma_wait3A_33, %dma_wait3A_34] : memref<50x384xf32, #tpu.memory_space<hbm>> -> memref<32x384xf32, #tpu.memory_space<hbm>>
    %dma_wait3A_36 = arith.constant 0 : i32
    %dma_wait3A_37 = arith.constant 0 : i32
    %dma_wait3A_38 = tpu.memref_slice %arg6[%dma_wait3A_28, %dma_wait3A_36, %dma_wait3A_37] : memref<1x32x768xf32, #tpu.memory_space<vmem>> -> memref<1x32x384xf32, #tpu.memory_space<vmem>>
    %dma_wait3A_39 = tpu.memref_squeeze %dma_wait3A_38 : memref<1x32x384xf32, #tpu.memory_space<vmem>> -> memref<32x384xf32, #tpu.memory_space<vmem>>
    %dma_wait3A_40 = arith.constant 0 : i32
    %dma_wait3A_41 = arith.constant 0 : i32
    %dma_wait3A_42 = tpu.memref_slice %arg3[%dma_wait3A_40, %dma_wait3A_41] : memref<50x384xf32, #tpu.memory_space<hbm>> -> memref<32x384xf32, #tpu.memory_space<hbm>>
    tpu.wait_dma2 semaphore(%arg8 : memref<!tpu.dma_semaphore, #tpu.memory_space<semaphore_mem>>) src(%dma_wait3A_42 : memref<32x384xf32, #tpu.memory_space<hbm>>) dst(%dma_wait3A_39 : memref<32x384xf32, #tpu.memory_space<vmem>>)
    %dma_start3A_43 = arith.constant 0 : i32
    %dma_start3A_44 = arith.constant 0 : i32
    %dma_start3A_45 = arith.constant 0 : i32
    %dma_start3A_46 = tpu.memref_slice %arg4[%dma_start3A_43, %add3A, %dma_start3A_44, %dma_start3A_45] : memref<16x32x32x768xf32, #tpu.memory_space<hbm>> -> memref<1x1x32x768xf32, #tpu.memory_space<hbm>>
    %dma_start3A_47 = tpu.memref_squeeze %dma_start3A_46 : memref<1x1x32x768xf32, #tpu.memory_space<hbm>> -> memref<1x32x768xf32, #tpu.memory_space<hbm>>
    %dma_start3A_48 = arith.constant 0 : i32
    %dma_start3A_49 = arith.constant 0 : i32
    %dma_start3A_50 = tpu.memref_slice %arg4[%dma_start3A_43, %add3A, %dma_start3A_48, %dma_start3A_49] : memref<16x32x32x768xf32, #tpu.memory_space<hbm>> -> memref<1x1x32x768xf32, #tpu.memory_space<hbm>>
    %dma_start3A_51 = tpu.memref_squeeze %dma_start3A_50 : memref<1x1x32x768xf32, #tpu.memory_space<hbm>> -> memref<1x32x768xf32, #tpu.memory_space<hbm>>
    tpu.enqueue_dma source(%arg6 : memref<1x32x768xf32, #tpu.memory_space<vmem>>) target(%dma_start3A_51 : memref<1x32x768xf32, #tpu.memory_space<hbm>>) target_semaphore(%arg7 : memref<!tpu.dma_semaphore, #tpu.memory_space<semaphore_mem>>)
    %dma_start3A_52 = arith.constant 1 : i32
    %dma_start3A_53 = arith.constant 0 : i32
    %dma_start3A_54 = arith.constant 0 : i32
    %dma_start3A_55 = tpu.memref_slice %arg4[%dma_start3A_52, %add3A, %dma_start3A_53, %dma_start3A_54] : memref<16x32x32x768xf32, #tpu.memory_space<hbm>> -> memref<1x1x32x768xf32, #tpu.memory_space<hbm>>
    %dma_start3A_56 = tpu.memref_squeeze %dma_start3A_55 : memref<1x1x32x768xf32, #tpu.memory_space<hbm>> -> memref<1x32x768xf32, #tpu.memory_space<hbm>>
    %dma_start3A_57 = arith.constant 0 : i32
    %dma_start3A_58 = arith.constant 0 : i32
    %dma_start3A_59 = tpu.memref_slice %arg4[%dma_start3A_52, %add3A, %dma_start3A_57, %dma_start3A_58] : memref<16x32x32x768xf32, #tpu.memory_space<hbm>> -> memref<1x1x32x768xf32, #tpu.memory_space<hbm>>
    %dma_start3A_60 = tpu.memref_squeeze %dma_start3A_59 : memref<1x1x32x768xf32, #tpu.memory_space<hbm>> -> memref<1x32x768xf32, #tpu.memory_space<hbm>>
    tpu.enqueue_dma source(%arg6 : memref<1x32x768xf32, #tpu.memory_space<vmem>>) target(%dma_start3A_60 : memref<1x32x768xf32, #tpu.memory_space<hbm>>) target_semaphore(%arg7 : memref<!tpu.dma_semaphore, #tpu.memory_space<semaphore_mem>>)
    %dma_start3A_61 = arith.constant 2 : i32
    %dma_start3A_62 = arith.constant 0 : i32
    %dma_start3A_63 = arith.constant 0 : i32
    %dma_start3A_64 = tpu.memref_slice %arg4[%dma_start3A_61, %add3A, %dma_start3A_62, %dma_start3A_63] : memref<16x32x32x768xf32, #tpu.memory_space<hbm>> -> memref<1x1x32x768xf32, #tpu.memory_space<hbm>>
    %dma_start3A_65 = tpu.memref_squeeze %dma_start3A_64 : memref<1x1x32x768xf32, #tpu.memory_space<hbm>> -> memref<1x32x768xf32, #tpu.memory_space<hbm>>
    %dma_start3A_66 = arith.constant 0 : i32
    %dma_start3A_67 = arith.constant 0 : i32
    %dma_start3A_68 = tpu.memref_slice %arg4[%dma_start3A_61, %add3A, %dma_start3A_66, %dma_start3A_67] : memref<16x32x32x768xf32, #tpu.memory_space<hbm>> -> memref<1x1x32x768xf32, #tpu.memory_space<hbm>>
    %dma_start3A_69 = tpu.memref_squeeze %dma_start3A_68 : memref<1x1x32x768xf32, #tpu.memory_space<hbm>> -> memref<1x32x768xf32, #tpu.memory_space<hbm>>
    tpu.enqueue_dma source(%arg6 : memref<1x32x768xf32, #tpu.memory_space<vmem>>) target(%dma_start3A_69 : memref<1x32x768xf32, #tpu.memory_space<hbm>>) target_semaphore(%arg7 : memref<!tpu.dma_semaphore, #tpu.memory_space<semaphore_mem>>)
    %dma_start3A_70 = arith.constant 3 : i32
    %dma_start3A_71 = arith.constant 0 : i32
    %dma_start3A_72 = arith.constant 0 : i32
    %dma_start3A_73 = tpu.memref_slice %arg4[%dma_start3A_70, %add3A, %dma_start3A_71, %dma_start3A_72] : memref<16x32x32x768xf32, #tpu.memory_space<hbm>> -> memref<1x1x32x768xf32, #tpu.memory_space<hbm>>
    %dma_start3A_74 = tpu.memref_squeeze %dma_start3A_73 : memref<1x1x32x768xf32, #tpu.memory_space<hbm>> -> memref<1x32x768xf32, #tpu.memory_space<hbm>>
    %dma_start3A_75 = arith.constant 0 : i32
    %dma_start3A_76 = arith.constant 0 : i32
    %dma_start3A_77 = tpu.memref_slice %arg4[%dma_start3A_70, %add3A, %dma_start3A_75, %dma_start3A_76] : memref<16x32x32x768xf32, #tpu.memory_space<hbm>> -> memref<1x1x32x768xf32, #tpu.memory_space<hbm>>
    %dma_start3A_78 = tpu.memref_squeeze %dma_start3A_77 : memref<1x1x32x768xf32, #tpu.memory_space<hbm>> -> memref<1x32x768xf32, #tpu.memory_space<hbm>>
    tpu.enqueue_dma source(%arg6 : memref<1x32x768xf32, #tpu.memory_space<vmem>>) target(%dma_start3A_78 : memref<1x32x768xf32, #tpu.memory_space<hbm>>) target_semaphore(%arg7 : memref<!tpu.dma_semaphore, #tpu.memory_space<semaphore_mem>>)
    %dma_start3A_79 = arith.constant 4 : i32
    %dma_start3A_80 = arith.constant 0 : i32
    %dma_start3A_81 = arith.constant 0 : i32
    %dma_start3A_82 = tpu.memref_slice %arg4[%dma_start3A_79, %add3A, %dma_start3A_80, %dma_start3A_81] : memref<16x32x32x768xf32, #tpu.memory_space<hbm>> -> memref<1x1x32x768xf32, #tpu.memory_space<hbm>>
    %dma_start3A_83 = tpu.memref_squeeze %dma_start3A_82 : memref<1x1x32x768xf32, #tpu.memory_space<hbm>> -> memref<1x32x768xf32, #tpu.memory_space<hbm>>
    %dma_start3A_84 = arith.constant 0 : i32
    %dma_start3A_85 = arith.constant 0 : i32
    %dma_start3A_86 = tpu.memref_slice %arg4[%dma_start3A_79, %add3A, %dma_start3A_84, %dma_start3A_85] : memref<16x32x32x768xf32, #tpu.memory_space<hbm>> -> memref<1x1x32x768xf32, #tpu.memory_space<hbm>>
    %dma_start3A_87 = tpu.memref_squeeze %dma_start3A_86 : memref<1x1x32x768xf32, #tpu.memory_space<hbm>> -> memref<1x32x768xf32, #tpu.memory_space<hbm>>
    tpu.enqueue_dma source(%arg6 : memref<1x32x768xf32, #tpu.memory_space<vmem>>) target(%dma_start3A_87 : memref<1x32x768xf32, #tpu.memory_space<hbm>>) target_semaphore(%arg7 : memref<!tpu.dma_semaphore, #tpu.memory_space<semaphore_mem>>)
    %dma_start3A_88 = arith.constant 5 : i32
    %dma_start3A_89 = arith.constant 0 : i32
    %dma_start3A_90 = arith.constant 0 : i32
    %dma_start3A_91 = tpu.memref_slice %arg4[%dma_start3A_88, %add3A, %dma_start3A_89, %dma_start3A_90] : memref<16x32x32x768xf32, #tpu.memory_space<hbm>> -> memref<1x1x32x768xf32, #tpu.memory_space<hbm>>
    %dma_start3A_92 = tpu.memref_squeeze %dma_start3A_91 : memref<1x1x32x768xf32, #tpu.memory_space<hbm>> -> memref<1x32x768xf32, #tpu.memory_space<hbm>>
    %dma_start3A_93 = arith.constant 0 : i32
    %dma_start3A_94 = arith.constant 0 : i32
    %dma_start3A_95 = tpu.memref_slice %arg4[%dma_start3A_88, %add3A, %dma_start3A_93, %dma_start3A_94] : memref<16x32x32x768xf32, #tpu.memory_space<hbm>> -> memref<1x1x32x768xf32, #tpu.memory_space<hbm>>
    %dma_start3A_96 = tpu.memref_squeeze %dma_start3A_95 : memref<1x1x32x768xf32, #tpu.memory_space<hbm>> -> memref<1x32x768xf32, #tpu.memory_space<hbm>>
    tpu.enqueue_dma source(%arg6 : memref<1x32x768xf32, #tpu.memory_space<vmem>>) target(%dma_start3A_96 : memref<1x32x768xf32, #tpu.memory_space<hbm>>) target_semaphore(%arg7 : memref<!tpu.dma_semaphore, #tpu.memory_space<semaphore_mem>>)
    %dma_start3A_97 = arith.constant 6 : i32
    %dma_start3A_98 = arith.constant 0 : i32
    %dma_start3A_99 = arith.constant 0 : i32
    %dma_start3A_100 = tpu.memref_slice %arg4[%dma_start3A_97, %add3A, %dma_start3A_98, %dma_start3A_99] : memref<16x32x32x768xf32, #tpu.memory_space<hbm>> -> memref<1x1x32x768xf32, #tpu.memory_space<hbm>>
    %dma_start3A_101 = tpu.memref_squeeze %dma_start3A_100 : memref<1x1x32x768xf32, #tpu.memory_space<hbm>> -> memref<1x32x768xf32, #tpu.memory_space<hbm>>
    %dma_start3A_102 = arith.constant 0 : i32
    %dma_start3A_103 = arith.constant 0 : i32
    %dma_start3A_104 = tpu.memref_slice %arg4[%dma_start3A_97, %add3A, %dma_start3A_102, %dma_start3A_103] : memref<16x32x32x768xf32, #tpu.memory_space<hbm>> -> memref<1x1x32x768xf32, #tpu.memory_space<hbm>>
    %dma_start3A_105 = tpu.memref_squeeze %dma_start3A_104 : memref<1x1x32x768xf32, #tpu.memory_space<hbm>> -> memref<1x32x768xf32, #tpu.memory_space<hbm>>
    tpu.enqueue_dma source(%arg6 : memref<1x32x768xf32, #tpu.memory_space<vmem>>) target(%dma_start3A_105 : memref<1x32x768xf32, #tpu.memory_space<hbm>>) target_semaphore(%arg7 : memref<!tpu.dma_semaphore, #tpu.memory_space<semaphore_mem>>)
    %dma_start3A_106 = arith.constant 7 : i32
    %dma_start3A_107 = arith.constant 0 : i32
    %dma_start3A_108 = arith.constant 0 : i32
    %dma_start3A_109 = tpu.memref_slice %arg4[%dma_start3A_106, %add3A, %dma_start3A_107, %dma_start3A_108] : memref<16x32x32x768xf32, #tpu.memory_space<hbm>> -> memref<1x1x32x768xf32, #tpu.memory_space<hbm>>
    %dma_start3A_110 = tpu.memref_squeeze %dma_start3A_109 : memref<1x1x32x768xf32, #tpu.memory_space<hbm>> -> memref<1x32x768xf32, #tpu.memory_space<hbm>>
    %dma_start3A_111 = arith.constant 0 : i32
    %dma_start3A_112 = arith.constant 0 : i32
    %dma_start3A_113 = tpu.memref_slice %arg4[%dma_start3A_106, %add3A, %dma_start3A_111, %dma_start3A_112] : memref<16x32x32x768xf32, #tpu.memory_space<hbm>> -> memref<1x1x32x768xf32, #tpu.memory_space<hbm>>
    %dma_start3A_114 = tpu.memref_squeeze %dma_start3A_113 : memref<1x1x32x768xf32, #tpu.memory_space<hbm>> -> memref<1x32x768xf32, #tpu.memory_space<hbm>>
    tpu.enqueue_dma source(%arg6 : memref<1x32x768xf32, #tpu.memory_space<vmem>>) target(%dma_start3A_114 : memref<1x32x768xf32, #tpu.memory_space<hbm>>) target_semaphore(%arg7 : memref<!tpu.dma_semaphore, #tpu.memory_space<semaphore_mem>>)
    %dma_start3A_115 = arith.constant 8 : i32
    %dma_start3A_116 = arith.constant 0 : i32
    %dma_start3A_117 = arith.constant 0 : i32
    %dma_start3A_118 = tpu.memref_slice %arg4[%dma_start3A_115, %add3A, %dma_start3A_116, %dma_start3A_117] : memref<16x32x32x768xf32, #tpu.memory_space<hbm>> -> memref<1x1x32x768xf32, #tpu.memory_space<hbm>>
    %dma_start3A_119 = tpu.memref_squeeze %dma_start3A_118 : memref<1x1x32x768xf32, #tpu.memory_space<hbm>> -> memref<1x32x768xf32, #tpu.memory_space<hbm>>
    %dma_start3A_120 = arith.constant 0 : i32
    %dma_start3A_121 = arith.constant 0 : i32
    %dma_start3A_122 = tpu.memref_slice %arg4[%dma_start3A_115, %add3A, %dma_start3A_120, %dma_start3A_121] : memref<16x32x32x768xf32, #tpu.memory_space<hbm>> -> memref<1x1x32x768xf32, #tpu.memory_space<hbm>>
    %dma_start3A_123 = tpu.memref_squeeze %dma_start3A_122 : memref<1x1x32x768xf32, #tpu.memory_space<hbm>> -> memref<1x32x768xf32, #tpu.memory_space<hbm>>
    tpu.enqueue_dma source(%arg6 : memref<1x32x768xf32, #tpu.memory_space<vmem>>) target(%dma_start3A_123 : memref<1x32x768xf32, #tpu.memory_space<hbm>>) target_semaphore(%arg7 : memref<!tpu.dma_semaphore, #tpu.memory_space<semaphore_mem>>)
    %dma_start3A_124 = arith.constant 9 : i32
    %dma_start3A_125 = arith.constant 0 : i32
    %dma_start3A_126 = arith.constant 0 : i32
    %dma_start3A_127 = tpu.memref_slice %arg4[%dma_start3A_124, %add3A, %dma_start3A_125, %dma_start3A_126] : memref<16x32x32x768xf32, #tpu.memory_space<hbm>> -> memref<1x1x32x768xf32, #tpu.memory_space<hbm>>
    %dma_start3A_128 = tpu.memref_squeeze %dma_start3A_127 : memref<1x1x32x768xf32, #tpu.memory_space<hbm>> -> memref<1x32x768xf32, #tpu.memory_space<hbm>>
    %dma_start3A_129 = arith.constant 0 : i32
    %dma_start3A_130 = arith.constant 0 : i32
    %dma_start3A_131 = tpu.memref_slice %arg4[%dma_start3A_124, %add3A, %dma_start3A_129, %dma_start3A_130] : memref<16x32x32x768xf32, #tpu.memory_space<hbm>> -> memref<1x1x32x768xf32, #tpu.memory_space<hbm>>
    %dma_start3A_132 = tpu.memref_squeeze %dma_start3A_131 : memref<1x1x32x768xf32, #tpu.memory_space<hbm>> -> memref<1x32x768xf32, #tpu.memory_space<hbm>>
    tpu.enqueue_dma source(%arg6 : memref<1x32x768xf32, #tpu.memory_space<vmem>>) target(%dma_start3A_132 : memref<1x32x768xf32, #tpu.memory_space<hbm>>) target_semaphore(%arg7 : memref<!tpu.dma_semaphore, #tpu.memory_space<semaphore_mem>>)
    %dma_start3A_133 = arith.constant 10 : i32
    %dma_start3A_134 = arith.constant 0 : i32
    %dma_start3A_135 = arith.constant 0 : i32
    %dma_start3A_136 = tpu.memref_slice %arg4[%dma_start3A_133, %add3A, %dma_start3A_134, %dma_start3A_135] : memref<16x32x32x768xf32, #tpu.memory_space<hbm>> -> memref<1x1x32x768xf32, #tpu.memory_space<hbm>>
    %dma_start3A_137 = tpu.memref_squeeze %dma_start3A_136 : memref<1x1x32x768xf32, #tpu.memory_space<hbm>> -> memref<1x32x768xf32, #tpu.memory_space<hbm>>
    %dma_start3A_138 = arith.constant 0 : i32
    %dma_start3A_139 = arith.constant 0 : i32
    %dma_start3A_140 = tpu.memref_slice %arg4[%dma_start3A_133, %add3A, %dma_start3A_138, %dma_start3A_139] : memref<16x32x32x768xf32, #tpu.memory_space<hbm>> -> memref<1x1x32x768xf32, #tpu.memory_space<hbm>>
    %dma_start3A_141 = tpu.memref_squeeze %dma_start3A_140 : memref<1x1x32x768xf32, #tpu.memory_space<hbm>> -> memref<1x32x768xf32, #tpu.memory_space<hbm>>
    tpu.enqueue_dma source(%arg6 : memref<1x32x768xf32, #tpu.memory_space<vmem>>) target(%dma_start3A_141 : memref<1x32x768xf32, #tpu.memory_space<hbm>>) target_semaphore(%arg7 : memref<!tpu.dma_semaphore, #tpu.memory_space<semaphore_mem>>)
    %dma_start3A_142 = arith.constant 11 : i32
    %dma_start3A_143 = arith.constant 0 : i32
    %dma_start3A_144 = arith.constant 0 : i32
    %dma_start3A_145 = tpu.memref_slice %arg4[%dma_start3A_142, %add3A, %dma_start3A_143, %dma_start3A_144] : memref<16x32x32x768xf32, #tpu.memory_space<hbm>> -> memref<1x1x32x768xf32, #tpu.memory_space<hbm>>
    %dma_start3A_146 = tpu.memref_squeeze %dma_start3A_145 : memref<1x1x32x768xf32, #tpu.memory_space<hbm>> -> memref<1x32x768xf32, #tpu.memory_space<hbm>>
    %dma_start3A_147 = arith.constant 0 : i32
    %dma_start3A_148 = arith.constant 0 : i32
    %dma_start3A_149 = tpu.memref_slice %arg4[%dma_start3A_142, %add3A, %dma_start3A_147, %dma_start3A_148] : memref<16x32x32x768xf32, #tpu.memory_space<hbm>> -> memref<1x1x32x768xf32, #tpu.memory_space<hbm>>
    %dma_start3A_150 = tpu.memref_squeeze %dma_start3A_149 : memref<1x1x32x768xf32, #tpu.memory_space<hbm>> -> memref<1x32x768xf32, #tpu.memory_space<hbm>>
    tpu.enqueue_dma source(%arg6 : memref<1x32x768xf32, #tpu.memory_space<vmem>>) target(%dma_start3A_150 : memref<1x32x768xf32, #tpu.memory_space<hbm>>) target_semaphore(%arg7 : memref<!tpu.dma_semaphore, #tpu.memory_space<semaphore_mem>>)
    %dma_start3A_151 = arith.constant 12 : i32
    %dma_start3A_152 = arith.constant 0 : i32
    %dma_start3A_153 = arith.constant 0 : i32
    %dma_start3A_154 = tpu.memref_slice %arg4[%dma_start3A_151, %add3A, %dma_start3A_152, %dma_start3A_153] : memref<16x32x32x768xf32, #tpu.memory_space<hbm>> -> memref<1x1x32x768xf32, #tpu.memory_space<hbm>>
    %dma_start3A_155 = tpu.memref_squeeze %dma_start3A_154 : memref<1x1x32x768xf32, #tpu.memory_space<hbm>> -> memref<1x32x768xf32, #tpu.memory_space<hbm>>
    %dma_start3A_156 = arith.constant 0 : i32
    %dma_start3A_157 = arith.constant 0 : i32
    %dma_start3A_158 = tpu.memref_slice %arg4[%dma_start3A_151, %add3A, %dma_start3A_156, %dma_start3A_157] : memref<16x32x32x768xf32, #tpu.memory_space<hbm>> -> memref<1x1x32x768xf32, #tpu.memory_space<hbm>>
    %dma_start3A_159 = tpu.memref_squeeze %dma_start3A_158 : memref<1x1x32x768xf32, #tpu.memory_space<hbm>> -> memref<1x32x768xf32, #tpu.memory_space<hbm>>
    tpu.enqueue_dma source(%arg6 : memref<1x32x768xf32, #tpu.memory_space<vmem>>) target(%dma_start3A_159 : memref<1x32x768xf32, #tpu.memory_space<hbm>>) target_semaphore(%arg7 : memref<!tpu.dma_semaphore, #tpu.memory_space<semaphore_mem>>)
    %dma_start3A_160 = arith.constant 13 : i32
    %dma_start3A_161 = arith.constant 0 : i32
    %dma_start3A_162 = arith.constant 0 : i32
    %dma_start3A_163 = tpu.memref_slice %arg4[%dma_start3A_160, %add3A, %dma_start3A_161, %dma_start3A_162] : memref<16x32x32x768xf32, #tpu.memory_space<hbm>> -> memref<1x1x32x768xf32, #tpu.memory_space<hbm>>
    %dma_start3A_164 = tpu.memref_squeeze %dma_start3A_163 : memref<1x1x32x768xf32, #tpu.memory_space<hbm>> -> memref<1x32x768xf32, #tpu.memory_space<hbm>>
    %dma_start3A_165 = arith.constant 0 : i32
    %dma_start3A_166 = arith.constant 0 : i32
    %dma_start3A_167 = tpu.memref_slice %arg4[%dma_start3A_160, %add3A, %dma_start3A_165, %dma_start3A_166] : memref<16x32x32x768xf32, #tpu.memory_space<hbm>> -> memref<1x1x32x768xf32, #tpu.memory_space<hbm>>
    %dma_start3A_168 = tpu.memref_squeeze %dma_start3A_167 : memref<1x1x32x768xf32, #tpu.memory_space<hbm>> -> memref<1x32x768xf32, #tpu.memory_space<hbm>>
    tpu.enqueue_dma source(%arg6 : memref<1x32x768xf32, #tpu.memory_space<vmem>>) target(%dma_start3A_168 : memref<1x32x768xf32, #tpu.memory_space<hbm>>) target_semaphore(%arg7 : memref<!tpu.dma_semaphore, #tpu.memory_space<semaphore_mem>>)
    %dma_start3A_169 = arith.constant 14 : i32
    %dma_start3A_170 = arith.constant 0 : i32
    %dma_start3A_171 = arith.constant 0 : i32
    %dma_start3A_172 = tpu.memref_slice %arg4[%dma_start3A_169, %add3A, %dma_start3A_170, %dma_start3A_171] : memref<16x32x32x768xf32, #tpu.memory_space<hbm>> -> memref<1x1x32x768xf32, #tpu.memory_space<hbm>>
    %dma_start3A_173 = tpu.memref_squeeze %dma_start3A_172 : memref<1x1x32x768xf32, #tpu.memory_space<hbm>> -> memref<1x32x768xf32, #tpu.memory_space<hbm>>
    %dma_start3A_174 = arith.constant 0 : i32
    %dma_start3A_175 = arith.constant 0 : i32
    %dma_start3A_176 = tpu.memref_slice %arg4[%dma_start3A_169, %add3A, %dma_start3A_174, %dma_start3A_175] : memref<16x32x32x768xf32, #tpu.memory_space<hbm>> -> memref<1x1x32x768xf32, #tpu.memory_space<hbm>>
    %dma_start3A_177 = tpu.memref_squeeze %dma_start3A_176 : memref<1x1x32x768xf32, #tpu.memory_space<hbm>> -> memref<1x32x768xf32, #tpu.memory_space<hbm>>
    tpu.enqueue_dma source(%arg6 : memref<1x32x768xf32, #tpu.memory_space<vmem>>) target(%dma_start3A_177 : memref<1x32x768xf32, #tpu.memory_space<hbm>>) target_semaphore(%arg7 : memref<!tpu.dma_semaphore, #tpu.memory_space<semaphore_mem>>)
    %dma_start3A_178 = arith.constant 15 : i32
    %dma_start3A_179 = arith.constant 0 : i32
    %dma_start3A_180 = arith.constant 0 : i32
    %dma_start3A_181 = tpu.memref_slice %arg4[%dma_start3A_178, %add3A, %dma_start3A_179, %dma_start3A_180] : memref<16x32x32x768xf32, #tpu.memory_space<hbm>> -> memref<1x1x32x768xf32, #tpu.memory_space<hbm>>
    %dma_start3A_182 = tpu.memref_squeeze %dma_start3A_181 : memref<1x1x32x768xf32, #tpu.memory_space<hbm>> -> memref<1x32x768xf32, #tpu.memory_space<hbm>>
    %dma_start3A_183 = arith.constant 0 : i32
    %dma_start3A_184 = arith.constant 0 : i32
    %dma_start3A_185 = tpu.memref_slice %arg4[%dma_start3A_178, %add3A, %dma_start3A_183, %dma_start3A_184] : memref<16x32x32x768xf32, #tpu.memory_space<hbm>> -> memref<1x1x32x768xf32, #tpu.memory_space<hbm>>
    %dma_start3A_186 = tpu.memref_squeeze %dma_start3A_185 : memref<1x1x32x768xf32, #tpu.memory_space<hbm>> -> memref<1x32x768xf32, #tpu.memory_space<hbm>>
    tpu.enqueue_dma source(%arg6 : memref<1x32x768xf32, #tpu.memory_space<vmem>>) target(%dma_start3A_186 : memref<1x32x768xf32, #tpu.memory_space<hbm>>) target_semaphore(%arg7 : memref<!tpu.dma_semaphore, #tpu.memory_space<semaphore_mem>>)
    %dma_wait3A_187 = arith.constant 0 : i32
    %dma_wait3A_188 = arith.constant 0 : i32
    %dma_wait3A_189 = arith.constant 0 : i32
    %dma_wait3A_190 = tpu.memref_slice %arg4[%dma_wait3A_187, %add3A, %dma_wait3A_188, %dma_wait3A_189] : memref<16x32x32x768xf32, #tpu.memory_space<hbm>> -> memref<1x1x32x768xf32, #tpu.memory_space<hbm>>
    %dma_wait3A_191 = tpu.memref_squeeze %dma_wait3A_190 : memref<1x1x32x768xf32, #tpu.memory_space<hbm>> -> memref<1x32x768xf32, #tpu.memory_space<hbm>>
    %dma_wait3A_192 = arith.constant 0 : i32
    %dma_wait3A_193 = arith.constant 0 : i32
    %dma_wait3A_194 = tpu.memref_slice %arg4[%dma_wait3A_187, %add3A, %dma_wait3A_192, %dma_wait3A_193] : memref<16x32x32x768xf32, #tpu.memory_space<hbm>> -> memref<1x1x32x768xf32, #tpu.memory_space<hbm>>
    %dma_wait3A_195 = tpu.memref_squeeze %dma_wait3A_194 : memref<1x1x32x768xf32, #tpu.memory_space<hbm>> -> memref<1x32x768xf32, #tpu.memory_space<hbm>>
    tpu.wait_dma2 semaphore(%arg7 : memref<!tpu.dma_semaphore, #tpu.memory_space<semaphore_mem>>) src(%arg6 : memref<1x32x768xf32, #tpu.memory_space<vmem>>) dst(%dma_wait3A_195 : memref<1x32x768xf32, #tpu.memory_space<hbm>>)
    %dma_wait3A_196 = arith.constant 1 : i32
    %dma_wait3A_197 = arith.constant 0 : i32
    %dma_wait3A_198 = arith.constant 0 : i32
    %dma_wait3A_199 = tpu.memref_slice %arg4[%dma_wait3A_196, %add3A, %dma_wait3A_197, %dma_wait3A_198] : memref<16x32x32x768xf32, #tpu.memory_space<hbm>> -> memref<1x1x32x768xf32, #tpu.memory_space<hbm>>
    %dma_wait3A_200 = tpu.memref_squeeze %dma_wait3A_199 : memref<1x1x32x768xf32, #tpu.memory_space<hbm>> -> memref<1x32x768xf32, #tpu.memory_space<hbm>>
    %dma_wait3A_201 = arith.constant 0 : i32
    %dma_wait3A_202 = arith.constant 0 : i32
    %dma_wait3A_203 = tpu.memref_slice %arg4[%dma_wait3A_196, %add3A, %dma_wait3A_201, %dma_wait3A_202] : memref<16x32x32x768xf32, #tpu.memory_space<hbm>> -> memref<1x1x32x768xf32, #tpu.memory_space<hbm>>
    %dma_wait3A_204 = tpu.memref_squeeze %dma_wait3A_203 : memref<1x1x32x768xf32, #tpu.memory_space<hbm>> -> memref<1x32x768xf32, #tpu.memory_space<hbm>>
    tpu.wait_dma2 semaphore(%arg7 : memref<!tpu.dma_semaphore, #tpu.memory_space<semaphore_mem>>) src(%arg6 : memref<1x32x768xf32, #tpu.memory_space<vmem>>) dst(%dma_wait3A_204 : memref<1x32x768xf32, #tpu.memory_space<hbm>>)
    %dma_wait3A_205 = arith.constant 2 : i32
    %dma_wait3A_206 = arith.constant 0 : i32
    %dma_wait3A_207 = arith.constant 0 : i32
    %dma_wait3A_208 = tpu.memref_slice %arg4[%dma_wait3A_205, %add3A, %dma_wait3A_206, %dma_wait3A_207] : memref<16x32x32x768xf32, #tpu.memory_space<hbm>> -> memref<1x1x32x768xf32, #tpu.memory_space<hbm>>
    %dma_wait3A_209 = tpu.memref_squeeze %dma_wait3A_208 : memref<1x1x32x768xf32, #tpu.memory_space<hbm>> -> memref<1x32x768xf32, #tpu.memory_space<hbm>>
    %dma_wait3A_210 = arith.constant 0 : i32
    %dma_wait3A_211 = arith.constant 0 : i32
    %dma_wait3A_212 = tpu.memref_slice %arg4[%dma_wait3A_205, %add3A, %dma_wait3A_210, %dma_wait3A_211] : memref<16x32x32x768xf32, #tpu.memory_space<hbm>> -> memref<1x1x32x768xf32, #tpu.memory_space<hbm>>
    %dma_wait3A_213 = tpu.memref_squeeze %dma_wait3A_212 : memref<1x1x32x768xf32, #tpu.memory_space<hbm>> -> memref<1x32x768xf32, #tpu.memory_space<hbm>>
    tpu.wait_dma2 semaphore(%arg7 : memref<!tpu.dma_semaphore, #tpu.memory_space<semaphore_mem>>) src(%arg6 : memref<1x32x768xf32, #tpu.memory_space<vmem>>) dst(%dma_wait3A_213 : memref<1x32x768xf32, #tpu.memory_space<hbm>>)
    %dma_wait3A_214 = arith.constant 3 : i32
    %dma_wait3A_215 = arith.constant 0 : i32
    %dma_wait3A_216 = arith.constant 0 : i32
    %dma_wait3A_217 = tpu.memref_slice %arg4[%dma_wait3A_214, %add3A, %dma_wait3A_215, %dma_wait3A_216] : memref<16x32x32x768xf32, #tpu.memory_space<hbm>> -> memref<1x1x32x768xf32, #tpu.memory_space<hbm>>
    %dma_wait3A_218 = tpu.memref_squeeze %dma_wait3A_217 : memref<1x1x32x768xf32, #tpu.memory_space<hbm>> -> memref<1x32x768xf32, #tpu.memory_space<hbm>>
    %dma_wait3A_219 = arith.constant 0 : i32
    %dma_wait3A_220 = arith.constant 0 : i32
    %dma_wait3A_221 = tpu.memref_slice %arg4[%dma_wait3A_214, %add3A, %dma_wait3A_219, %dma_wait3A_220] : memref<16x32x32x768xf32, #tpu.memory_space<hbm>> -> memref<1x1x32x768xf32, #tpu.memory_space<hbm>>
    %dma_wait3A_222 = tpu.memref_squeeze %dma_wait3A_221 : memref<1x1x32x768xf32, #tpu.memory_space<hbm>> -> memref<1x32x768xf32, #tpu.memory_space<hbm>>
    tpu.wait_dma2 semaphore(%arg7 : memref<!tpu.dma_semaphore, #tpu.memory_space<semaphore_mem>>) src(%arg6 : memref<1x32x768xf32, #tpu.memory_space<vmem>>) dst(%dma_wait3A_222 : memref<1x32x768xf32, #tpu.memory_space<hbm>>)
    %dma_wait3A_223 = arith.constant 4 : i32
    %dma_wait3A_224 = arith.constant 0 : i32
    %dma_wait3A_225 = arith.constant 0 : i32
    %dma_wait3A_226 = tpu.memref_slice %arg4[%dma_wait3A_223, %add3A, %dma_wait3A_224, %dma_wait3A_225] : memref<16x32x32x768xf32, #tpu.memory_space<hbm>> -> memref<1x1x32x768xf32, #tpu.memory_space<hbm>>
    %dma_wait3A_227 = tpu.memref_squeeze %dma_wait3A_226 : memref<1x1x32x768xf32, #tpu.memory_space<hbm>> -> memref<1x32x768xf32, #tpu.memory_space<hbm>>
    %dma_wait3A_228 = arith.constant 0 : i32
    %dma_wait3A_229 = arith.constant 0 : i32
    %dma_wait3A_230 = tpu.memref_slice %arg4[%dma_wait3A_223, %add3A, %dma_wait3A_228, %dma_wait3A_229] : memref<16x32x32x768xf32, #tpu.memory_space<hbm>> -> memref<1x1x32x768xf32, #tpu.memory_space<hbm>>
    %dma_wait3A_231 = tpu.memref_squeeze %dma_wait3A_230 : memref<1x1x32x768xf32, #tpu.memory_space<hbm>> -> memref<1x32x768xf32, #tpu.memory_space<hbm>>
    tpu.wait_dma2 semaphore(%arg7 : memref<!tpu.dma_semaphore, #tpu.memory_space<semaphore_mem>>) src(%arg6 : memref<1x32x768xf32, #tpu.memory_space<vmem>>) dst(%dma_wait3A_231 : memref<1x32x768xf32, #tpu.memory_space<hbm>>)
    %dma_wait3A_232 = arith.constant 5 : i32
    %dma_wait3A_233 = arith.constant 0 : i32
    %dma_wait3A_234 = arith.constant 0 : i32
    %dma_wait3A_235 = tpu.memref_slice %arg4[%dma_wait3A_232, %add3A, %dma_wait3A_233, %dma_wait3A_234] : memref<16x32x32x768xf32, #tpu.memory_space<hbm>> -> memref<1x1x32x768xf32, #tpu.memory_space<hbm>>
    %dma_wait3A_236 = tpu.memref_squeeze %dma_wait3A_235 : memref<1x1x32x768xf32, #tpu.memory_space<hbm>> -> memref<1x32x768xf32, #tpu.memory_space<hbm>>
    %dma_wait3A_237 = arith.constant 0 : i32
    %dma_wait3A_238 = arith.constant 0 : i32
    %dma_wait3A_239 = tpu.memref_slice %arg4[%dma_wait3A_232, %add3A, %dma_wait3A_237, %dma_wait3A_238] : memref<16x32x32x768xf32, #tpu.memory_space<hbm>> -> memref<1x1x32x768xf32, #tpu.memory_space<hbm>>
    %dma_wait3A_240 = tpu.memref_squeeze %dma_wait3A_239 : memref<1x1x32x768xf32, #tpu.memory_space<hbm>> -> memref<1x32x768xf32, #tpu.memory_space<hbm>>
    tpu.wait_dma2 semaphore(%arg7 : memref<!tpu.dma_semaphore, #tpu.memory_space<semaphore_mem>>) src(%arg6 : memref<1x32x768xf32, #tpu.memory_space<vmem>>) dst(%dma_wait3A_240 : memref<1x32x768xf32, #tpu.memory_space<hbm>>)
    %dma_wait3A_241 = arith.constant 6 : i32
    %dma_wait3A_242 = arith.constant 0 : i32
    %dma_wait3A_243 = arith.constant 0 : i32
    %dma_wait3A_244 = tpu.memref_slice %arg4[%dma_wait3A_241, %add3A, %dma_wait3A_242, %dma_wait3A_243] : memref<16x32x32x768xf32, #tpu.memory_space<hbm>> -> memref<1x1x32x768xf32, #tpu.memory_space<hbm>>
    %dma_wait3A_245 = tpu.memref_squeeze %dma_wait3A_244 : memref<1x1x32x768xf32, #tpu.memory_space<hbm>> -> memref<1x32x768xf32, #tpu.memory_space<hbm>>
    %dma_wait3A_246 = arith.constant 0 : i32
    %dma_wait3A_247 = arith.constant 0 : i32
    %dma_wait3A_248 = tpu.memref_slice %arg4[%dma_wait3A_241, %add3A, %dma_wait3A_246, %dma_wait3A_247] : memref<16x32x32x768xf32, #tpu.memory_space<hbm>> -> memref<1x1x32x768xf32, #tpu.memory_space<hbm>>
    %dma_wait3A_249 = tpu.memref_squeeze %dma_wait3A_248 : memref<1x1x32x768xf32, #tpu.memory_space<hbm>> -> memref<1x32x768xf32, #tpu.memory_space<hbm>>
    tpu.wait_dma2 semaphore(%arg7 : memref<!tpu.dma_semaphore, #tpu.memory_space<semaphore_mem>>) src(%arg6 : memref<1x32x768xf32, #tpu.memory_space<vmem>>) dst(%dma_wait3A_249 : memref<1x32x768xf32, #tpu.memory_space<hbm>>)
    %dma_wait3A_250 = arith.constant 7 : i32
    %dma_wait3A_251 = arith.constant 0 : i32
    %dma_wait3A_252 = arith.constant 0 : i32
    %dma_wait3A_253 = tpu.memref_slice %arg4[%dma_wait3A_250, %add3A, %dma_wait3A_251, %dma_wait3A_252] : memref<16x32x32x768xf32, #tpu.memory_space<hbm>> -> memref<1x1x32x768xf32, #tpu.memory_space<hbm>>
    %dma_wait3A_254 = tpu.memref_squeeze %dma_wait3A_253 : memref<1x1x32x768xf32, #tpu.memory_space<hbm>> -> memref<1x32x768xf32, #tpu.memory_space<hbm>>
    %dma_wait3A_255 = arith.constant 0 : i32
    %dma_wait3A_256 = arith.constant 0 : i32
    %dma_wait3A_257 = tpu.memref_slice %arg4[%dma_wait3A_250, %add3A, %dma_wait3A_255, %dma_wait3A_256] : memref<16x32x32x768xf32, #tpu.memory_space<hbm>> -> memref<1x1x32x768xf32, #tpu.memory_space<hbm>>
    %dma_wait3A_258 = tpu.memref_squeeze %dma_wait3A_257 : memref<1x1x32x768xf32, #tpu.memory_space<hbm>> -> memref<1x32x768xf32, #tpu.memory_space<hbm>>
    tpu.wait_dma2 semaphore(%arg7 : memref<!tpu.dma_semaphore, #tpu.memory_space<semaphore_mem>>) src(%arg6 : memref<1x32x768xf32, #tpu.memory_space<vmem>>) dst(%dma_wait3A_258 : memref<1x32x768xf32, #tpu.memory_space<hbm>>)
    %dma_wait3A_259 = arith.constant 8 : i32
    %dma_wait3A_260 = arith.constant 0 : i32
    %dma_wait3A_261 = arith.constant 0 : i32
    %dma_wait3A_262 = tpu.memref_slice %arg4[%dma_wait3A_259, %add3A, %dma_wait3A_260, %dma_wait3A_261] : memref<16x32x32x768xf32, #tpu.memory_space<hbm>> -> memref<1x1x32x768xf32, #tpu.memory_space<hbm>>
    %dma_wait3A_263 = tpu.memref_squeeze %dma_wait3A_262 : memref<1x1x32x768xf32, #tpu.memory_space<hbm>> -> memref<1x32x768xf32, #tpu.memory_space<hbm>>
    %dma_wait3A_264 = arith.constant 0 : i32
    %dma_wait3A_265 = arith.constant 0 : i32
    %dma_wait3A_266 = tpu.memref_slice %arg4[%dma_wait3A_259, %add3A, %dma_wait3A_264, %dma_wait3A_265] : memref<16x32x32x768xf32, #tpu.memory_space<hbm>> -> memref<1x1x32x768xf32, #tpu.memory_space<hbm>>
    %dma_wait3A_267 = tpu.memref_squeeze %dma_wait3A_266 : memref<1x1x32x768xf32, #tpu.memory_space<hbm>> -> memref<1x32x768xf32, #tpu.memory_space<hbm>>
    tpu.wait_dma2 semaphore(%arg7 : memref<!tpu.dma_semaphore, #tpu.memory_space<semaphore_mem>>) src(%arg6 : memref<1x32x768xf32, #tpu.memory_space<vmem>>) dst(%dma_wait3A_267 : memref<1x32x768xf32, #tpu.memory_space<hbm>>)
    %dma_wait3A_268 = arith.constant 9 : i32
    %dma_wait3A_269 = arith.constant 0 : i32
    %dma_wait3A_270 = arith.constant 0 : i32
    %dma_wait3A_271 = tpu.memref_slice %arg4[%dma_wait3A_268, %add3A, %dma_wait3A_269, %dma_wait3A_270] : memref<16x32x32x768xf32, #tpu.memory_space<hbm>> -> memref<1x1x32x768xf32, #tpu.memory_space<hbm>>
    %dma_wait3A_272 = tpu.memref_squeeze %dma_wait3A_271 : memref<1x1x32x768xf32, #tpu.memory_space<hbm>> -> memref<1x32x768xf32, #tpu.memory_space<hbm>>
    %dma_wait3A_273 = arith.constant 0 : i32
    %dma_wait3A_274 = arith.constant 0 : i32
    %dma_wait3A_275 = tpu.memref_slice %arg4[%dma_wait3A_268, %add3A, %dma_wait3A_273, %dma_wait3A_274] : memref<16x32x32x768xf32, #tpu.memory_space<hbm>> -> memref<1x1x32x768xf32, #tpu.memory_space<hbm>>
    %dma_wait3A_276 = tpu.memref_squeeze %dma_wait3A_275 : memref<1x1x32x768xf32, #tpu.memory_space<hbm>> -> memref<1x32x768xf32, #tpu.memory_space<hbm>>
    tpu.wait_dma2 semaphore(%arg7 : memref<!tpu.dma_semaphore, #tpu.memory_space<semaphore_mem>>) src(%arg6 : memref<1x32x768xf32, #tpu.memory_space<vmem>>) dst(%dma_wait3A_276 : memref<1x32x768xf32, #tpu.memory_space<hbm>>)
    %dma_wait3A_277 = arith.constant 10 : i32
    %dma_wait3A_278 = arith.constant 0 : i32
    %dma_wait3A_279 = arith.constant 0 : i32
    %dma_wait3A_280 = tpu.memref_slice %arg4[%dma_wait3A_277, %add3A, %dma_wait3A_278, %dma_wait3A_279] : memref<16x32x32x768xf32, #tpu.memory_space<hbm>> -> memref<1x1x32x768xf32, #tpu.memory_space<hbm>>
    %dma_wait3A_281 = tpu.memref_squeeze %dma_wait3A_280 : memref<1x1x32x768xf32, #tpu.memory_space<hbm>> -> memref<1x32x768xf32, #tpu.memory_space<hbm>>
    %dma_wait3A_282 = arith.constant 0 : i32
    %dma_wait3A_283 = arith.constant 0 : i32
    %dma_wait3A_284 = tpu.memref_slice %arg4[%dma_wait3A_277, %add3A, %dma_wait3A_282, %dma_wait3A_283] : memref<16x32x32x768xf32, #tpu.memory_space<hbm>> -> memref<1x1x32x768xf32, #tpu.memory_space<hbm>>
    %dma_wait3A_285 = tpu.memref_squeeze %dma_wait3A_284 : memref<1x1x32x768xf32, #tpu.memory_space<hbm>> -> memref<1x32x768xf32, #tpu.memory_space<hbm>>
    tpu.wait_dma2 semaphore(%arg7 : memref<!tpu.dma_semaphore, #tpu.memory_space<semaphore_mem>>) src(%arg6 : memref<1x32x768xf32, #tpu.memory_space<vmem>>) dst(%dma_wait3A_285 : memref<1x32x768xf32, #tpu.memory_space<hbm>>)
    %dma_wait3A_286 = arith.constant 11 : i32
    %dma_wait3A_287 = arith.constant 0 : i32
    %dma_wait3A_288 = arith.constant 0 : i32
    %dma_wait3A_289 = tpu.memref_slice %arg4[%dma_wait3A_286, %add3A, %dma_wait3A_287, %dma_wait3A_288] : memref<16x32x32x768xf32, #tpu.memory_space<hbm>> -> memref<1x1x32x768xf32, #tpu.memory_space<hbm>>
    %dma_wait3A_290 = tpu.memref_squeeze %dma_wait3A_289 : memref<1x1x32x768xf32, #tpu.memory_space<hbm>> -> memref<1x32x768xf32, #tpu.memory_space<hbm>>
    %dma_wait3A_291 = arith.constant 0 : i32
    %dma_wait3A_292 = arith.constant 0 : i32
    %dma_wait3A_293 = tpu.memref_slice %arg4[%dma_wait3A_286, %add3A, %dma_wait3A_291, %dma_wait3A_292] : memref<16x32x32x768xf32, #tpu.memory_space<hbm>> -> memref<1x1x32x768xf32, #tpu.memory_space<hbm>>
    %dma_wait3A_294 = tpu.memref_squeeze %dma_wait3A_293 : memref<1x1x32x768xf32, #tpu.memory_space<hbm>> -> memref<1x32x768xf32, #tpu.memory_space<hbm>>
    tpu.wait_dma2 semaphore(%arg7 : memref<!tpu.dma_semaphore, #tpu.memory_space<semaphore_mem>>) src(%arg6 : memref<1x32x768xf32, #tpu.memory_space<vmem>>) dst(%dma_wait3A_294 : memref<1x32x768xf32, #tpu.memory_space<hbm>>)
    %dma_wait3A_295 = arith.constant 12 : i32
    %dma_wait3A_296 = arith.constant 0 : i32
    %dma_wait3A_297 = arith.constant 0 : i32
    %dma_wait3A_298 = tpu.memref_slice %arg4[%dma_wait3A_295, %add3A, %dma_wait3A_296, %dma_wait3A_297] : memref<16x32x32x768xf32, #tpu.memory_space<hbm>> -> memref<1x1x32x768xf32, #tpu.memory_space<hbm>>
    %dma_wait3A_299 = tpu.memref_squeeze %dma_wait3A_298 : memref<1x1x32x768xf32, #tpu.memory_space<hbm>> -> memref<1x32x768xf32, #tpu.memory_space<hbm>>
    %dma_wait3A_300 = arith.constant 0 : i32
    %dma_wait3A_301 = arith.constant 0 : i32
    %dma_wait3A_302 = tpu.memref_slice %arg4[%dma_wait3A_295, %add3A, %dma_wait3A_300, %dma_wait3A_301] : memref<16x32x32x768xf32, #tpu.memory_space<hbm>> -> memref<1x1x32x768xf32, #tpu.memory_space<hbm>>
    %dma_wait3A_303 = tpu.memref_squeeze %dma_wait3A_302 : memref<1x1x32x768xf32, #tpu.memory_space<hbm>> -> memref<1x32x768xf32, #tpu.memory_space<hbm>>
    tpu.wait_dma2 semaphore(%arg7 : memref<!tpu.dma_semaphore, #tpu.memory_space<semaphore_mem>>) src(%arg6 : memref<1x32x768xf32, #tpu.memory_space<vmem>>) dst(%dma_wait3A_303 : memref<1x32x768xf32, #tpu.memory_space<hbm>>)
    %dma_wait3A_304 = arith.constant 13 : i32
    %dma_wait3A_305 = arith.constant 0 : i32
    %dma_wait3A_306 = arith.constant 0 : i32
    %dma_wait3A_307 = tpu.memref_slice %arg4[%dma_wait3A_304, %add3A, %dma_wait3A_305, %dma_wait3A_306] : memref<16x32x32x768xf32, #tpu.memory_space<hbm>> -> memref<1x1x32x768xf32, #tpu.memory_space<hbm>>
    %dma_wait3A_308 = tpu.memref_squeeze %dma_wait3A_307 : memref<1x1x32x768xf32, #tpu.memory_space<hbm>> -> memref<1x32x768xf32, #tpu.memory_space<hbm>>
    %dma_wait3A_309 = arith.constant 0 : i32
    %dma_wait3A_310 = arith.constant 0 : i32
    %dma_wait3A_311 = tpu.memref_slice %arg4[%dma_wait3A_304, %add3A, %dma_wait3A_309, %dma_wait3A_310] : memref<16x32x32x768xf32, #tpu.memory_space<hbm>> -> memref<1x1x32x768xf32, #tpu.memory_space<hbm>>
    %dma_wait3A_312 = tpu.memref_squeeze %dma_wait3A_311 : memref<1x1x32x768xf32, #tpu.memory_space<hbm>> -> memref<1x32x768xf32, #tpu.memory_space<hbm>>
    tpu.wait_dma2 semaphore(%arg7 : memref<!tpu.dma_semaphore, #tpu.memory_space<semaphore_mem>>) src(%arg6 : memref<1x32x768xf32, #tpu.memory_space<vmem>>) dst(%dma_wait3A_312 : memref<1x32x768xf32, #tpu.memory_space<hbm>>)
    %dma_wait3A_313 = arith.constant 14 : i32
    %dma_wait3A_314 = arith.constant 0 : i32
    %dma_wait3A_315 = arith.constant 0 : i32
    %dma_wait3A_316 = tpu.memref_slice %arg4[%dma_wait3A_313, %add3A, %dma_wait3A_314, %dma_wait3A_315] : memref<16x32x32x768xf32, #tpu.memory_space<hbm>> -> memref<1x1x32x768xf32, #tpu.memory_space<hbm>>
    %dma_wait3A_317 = tpu.memref_squeeze %dma_wait3A_316 : memref<1x1x32x768xf32, #tpu.memory_space<hbm>> -> memref<1x32x768xf32, #tpu.memory_space<hbm>>
    %dma_wait3A_318 = arith.constant 0 : i32
    %dma_wait3A_319 = arith.constant 0 : i32
    %dma_wait3A_320 = tpu.memref_slice %arg4[%dma_wait3A_313, %add3A, %dma_wait3A_318, %dma_wait3A_319] : memref<16x32x32x768xf32, #tpu.memory_space<hbm>> -> memref<1x1x32x768xf32, #tpu.memory_space<hbm>>
    %dma_wait3A_321 = tpu.memref_squeeze %dma_wait3A_320 : memref<1x1x32x768xf32, #tpu.memory_space<hbm>> -> memref<1x32x768xf32, #tpu.memory_space<hbm>>
    tpu.wait_dma2 semaphore(%arg7 : memref<!tpu.dma_semaphore, #tpu.memory_space<semaphore_mem>>) src(%arg6 : memref<1x32x768xf32, #tpu.memory_space<vmem>>) dst(%dma_wait3A_321 : memref<1x32x768xf32, #tpu.memory_space<hbm>>)
    %dma_wait3A_322 = arith.constant 15 : i32
    %dma_wait3A_323 = arith.constant 0 : i32
    %dma_wait3A_324 = arith.constant 0 : i32
    %dma_wait3A_325 = tpu.memref_slice %arg4[%dma_wait3A_322, %add3A, %dma_wait3A_323, %dma_wait3A_324] : memref<16x32x32x768xf32, #tpu.memory_space<hbm>> -> memref<1x1x32x768xf32, #tpu.memory_space<hbm>>
    %dma_wait3A_326 = tpu.memref_squeeze %dma_wait3A_325 : memref<1x1x32x768xf32, #tpu.memory_space<hbm>> -> memref<1x32x768xf32, #tpu.memory_space<hbm>>
    %dma_wait3A_327 = arith.constant 0 : i32
    %dma_wait3A_328 = arith.constant 0 : i32
    %dma_wait3A_329 = tpu.memref_slice %arg4[%dma_wait3A_322, %add3A, %dma_wait3A_327, %dma_wait3A_328] : memref<16x32x32x768xf32, #tpu.memory_space<hbm>> -> memref<1x1x32x768xf32, #tpu.memory_space<hbm>>
    %dma_wait3A_330 = tpu.memref_squeeze %dma_wait3A_329 : memref<1x1x32x768xf32, #tpu.memory_space<hbm>> -> memref<1x32x768xf32, #tpu.memory_space<hbm>>
    tpu.wait_dma2 semaphore(%arg7 : memref<!tpu.dma_semaphore, #tpu.memory_space<semaphore_mem>>) src(%arg6 : memref<1x32x768xf32, #tpu.memory_space<vmem>>) dst(%dma_wait3A_330 : memref<1x32x768xf32, #tpu.memory_space<hbm>>)
    return
  }
}

</mosaic_0001>

<sc_bundles>
// kernel: kernel.3.cloned.1.call-start
scs
__scs_entry_jumppad:
0x0: {  	(pc) =	sbr.rel $0x88, $3  }
0x1: {  	(tag) =	ssettag $0x0;
	lr =	simm.s32 $0x1  }
0x2: {  	[smem:$0x3F9F] =	sst lr;
	_ =	strace $0xD0000000  }
0x3: {  	_ = 	snop  }
0x4: {  	_ = 	snop  }
0x5: {  	_ = 	snop  }
0x6: {  	_ = 	snop  }
0x7: {  	_ = 	snop  }
__scs_overlays_trampoline_lowered:
0x8: {  	[smem:$0x3FAE] =	sst s0  }
0x9: {  	[smem:$0x3FAF] =	sst s1  }
0xa: {  	[smem:$0x3FB0] =	sst s2  }
0xb: {  	[smem:$0x3FB1] =	sst s3  }
0xc: {  	[smem:$0x3FB2] =	sst s4  }
0xd: {  	[smem:$0x3FB3] =	sst s5  }
0xe: {  	[smem:$0x3FB4] =	sst s6  }
0xf: {  	[smem:$0x3FB5] =	sst s7  }
0x10: {  	[smem:$0x3FB6] =	sst s8  }
0x11: {  	[smem:$0x3FB7] =	sst s9;
	s0 =	simm.s32 @!p0 $0x0  }
0x12: {  	s1 =	sld [smem:$0x3F9D];
	s0 =	simm.s32 @p0 $0x1  }
0x13: {  	[smem:$0x3FB8] =	sst s0;
	s0 =	simm.s32 @!p1 $0x0  }
0x14: {  	s2 =	sld [smem:$0x3F9C];
	s0 =	simm.s32 @p1 $0x1  }
0x15: {  	[smem:$0x3FB9] =	sst s0;
	s0 =	simm.s32 @!p2 $0x0  }
0x16: {  	s3 =	sld [smem:$0x3FDB];
	s0 =	simm.s32 @p2 $0x1  }
0x17: {  	s4 =	simm.s32 $0x1BF5;
	[smem:$0x3FBB] =	sst s0  }
0x18: {  	s0 =	sld [smem:$0x3F9E];
	_ =	swait.ge [sflag:s4], $0x0  }
0x19: {  	s7 =	sld [smem:$0x3F9F]  }
0x1a: {  	s8 =	sadd.s32 $0xFFFFE003, lr  }
0x1b: {  	s9 =	sadd.s32 $0xFFFFFEF7, lr;
	s5 =	simm.s32 $0xFFFFFFFF;
	p2 =	slt.u32 s8, $0xFFFFF086  }
0x1c: {  	p1 =	slt.u32 s9, $0xF7A;
	s5 =	simm.s32 @!p2 $0x0  }
0x1d: {  	s5 =	simm.s32 @p1 $0x1;
	p0 =	seq.s32 s7, s2  }
0x1e: {  	s7 =	smul.u32 @!p0 $0xF7A, s2;
	p2 =	seq.s32 @!p0 s5, $0x0  }
0x1f: {  	s9 =	smul.u32 $0xF7A, s1;
	s8 =	simm.s32 @!p0 $0x1BF5;
	p2 =	por !p2, p0  }
0x20: {  	[sflag:s8] =	ssyncset.s32 @!p0 $0xFFFFF086;
	s6 =	sadd.s32 @!p0 s3, s7;
	s7 =	simm.s32 @!p0 $0x108  }
0x21: {  	s3 =	sadd.s32 s3, s9;
	s6 =	sadd.s32 @!p0 $0x88, s6;
	s7 =	simm.s32 @p2 $0x1082  }
0x22: {  	[simem:s7], [sflag:s8] =	dma.local @!p0 [hbm:s6], $0xF7A  }
0x23: {  	s9 =	sor.u32 $0xD0000000, s2;
	s6 =	simm.s32 $0x108;
	_ =	swait.ge @!p0 [sflag:s8], $0x0  }
0x24: {  	s3 =	sadd.s32 $0x88, s3;
	s6 =	simm.s32 @!p1 $0x1082;
	[sflag:s4] =	ssyncset.s32 $0xFFFFF086  }
0x25: {  	[simem:s6], [sflag:s4] =	dma.local [hbm:s3], $0xF7A  }
0x26: {  	[smem:$0x3F9F] =	sst s1;
	(tag) =	ssettag s2;
	_ =	strace s9  }
0x27: {  	s1 =	sld [smem:$0x3FAF]  }
0x28: {  	s2 =	sld [smem:$0x3FB0]  }
0x29: {  	s4 =	sld [smem:$0x3FB2]  }
0x2a: {  	p0 =	seq.s32 s5, $0x0;
	s5 =	sld [smem:$0x3FB3]  }
0x2b: {  	s6 =	sld [smem:$0x3FB4]  }
0x2c: {  	s7 =	sld [smem:$0x3FB5]  }
0x2d: {  	s3 =	simm.s32 $0x108;
	s8 =	sld [smem:$0x3FB6]  }
0x2e: {  	s3 =	simm.s32 @!p0 $0x1082;
	s9 =	sld [smem:$0x3FB7]  }
0x2f: {  	lr =	sadd.s32 s0, s3;
	s0 =	sld [smem:$0x3FAE]  }
0x30: {  	s3 =	sld [smem:$0x3FB1]  }
0x31: {  	[smem:$0x3FBA] =	sst s10  }
0x32: {  	s10 =	sld [smem:$0x3FB8];
	_ =	sdelay $0x3  }
0x33: {  	p0 =	seq.s32 s10, $0x1;
	s10 =	sld [smem:$0x3FBA];
	_ =	sdelay $0x3  }
0x34: {  	[smem:$0x3FBA] =	sst s10  }
0x35: {  	s10 =	sld [smem:$0x3FB9];
	_ =	sdelay $0x3  }
0x36: {  	p1 =	seq.s32 s10, $0x1;
	s10 =	sld [smem:$0x3FBA];
	_ =	sdelay $0x3  }
0x37: {  	[smem:$0x3FBA] =	sst s10  }
0x38: {  	s10 =	sld [smem:$0x3FBB]  }
0x39: {  	_ = 	snop;
	(pc) =	sbr.ind lr, $3  }
0x3a: {  	_ = 	snop  }
0x3b: {  	_ = 	snop  }
0x3c: {  	p2 =	seq.s32 s10, $0x1;
	s10 =	sld [smem:$0x3FBA]  }
0x3d: {  	_ =	shalt  }
0x3e: {  	_ =	shalt  }
0x3f: {  	_ =	shalt  }
0x40: {  	_ =	shalt  }
0x41: {  	_ =	shalt  }
0x42: {  	_ =	shalt  }
0x43: {  	_ =	shalt  }
0x44: {  	_ =	shalt  }
0x45: {  	_ =	shalt  }
0x46: {  	_ =	shalt  }
0x47: {  	_ =	shalt  }
0x48: {  	_ =	shalt  }
0x49: {  	_ =	shalt  }
0x4a: {  	_ =	shalt  }
0x4b: {  	_ =	shalt  }
0x4c: {  	_ =	shalt  }
0x4d: {  	_ =	shalt  }
0x4e: {  	_ =	shalt  }
0x4f: {  	_ =	shalt  }
0x50: {  	_ =	shalt  }
0x51: {  	_ =	shalt  }
0x52: {  	_ =	shalt  }
0x53: {  	_ =	shalt  }
0x54: {  	_ =	shalt  }
0x55: {  	_ =	shalt  }
0x56: {  	_ =	shalt  }
0x57: {  	_ =	shalt  }
0x58: {  	_ =	shalt  }
0x59: {  	_ =	shalt  }
0x5a: {  	_ =	shalt  }
0x5b: {  	_ =	shalt  }
0x5c: {  	_ =	shalt  }
0x5d: {  	_ =	shalt  }
0x5e: {  	_ =	shalt  }
0x5f: {  	_ =	shalt  }
0x60: {  	_ =	shalt  }
0x61: {  	_ =	shalt  }
0x62: {  	_ =	shalt  }
0x63: {  	_ =	shalt  }
0x64: {  	_ =	shalt  }
0x65: {  	_ =	shalt  }
0x66: {  	_ =	shalt  }
0x67: {  	_ =	shalt  }
0x68: {  	_ =	shalt  }
0x69: {  	_ =	shalt  }
0x6a: {  	_ =	shalt  }
0x6b: {  	_ =	shalt  }
0x6c: {  	_ =	shalt  }
0x6d: {  	_ =	shalt  }
0x6e: {  	_ =	shalt  }
0x6f: {  	_ =	shalt  }
0x70: {  	_ =	shalt  }
0x71: {  	_ =	shalt  }
0x72: {  	_ =	shalt  }
0x73: {  	_ =	shalt  }
0x74: {  	_ =	shalt  }
0x75: {  	_ =	shalt  }
0x76: {  	_ =	shalt  }
0x77: {  	_ =	shalt  }
0x78: {  	_ =	shalt  }
0x79: {  	_ =	shalt  }
0x7a: {  	_ =	shalt  }
0x7b: {  	_ =	shalt  }
0x7c: {  	_ =	shalt  }
0x7d: {  	_ =	shalt  }
0x7e: {  	_ =	shalt  }
0x7f: {  	_ =	shalt  }
0x80: {  	_ =	shalt  }
0x81: {  	_ =	shalt  }
0x82: {  	_ =	shalt  }
0x83: {  	_ =	shalt  }
0x84: {  	_ =	shalt  }
0x85: {  	_ =	shalt  }
0x86: {  	_ =	shalt  }
0x87: {  	_ =	shalt  }
.Lfunc_end0:
.L_simem_size_0:
called_computation_lowered:
.L_overlay_start_0:
0x88: {  	s2 =	sld [smem:$0x3FD9]  }
0x89: {  	s3 =	sld [smem:$0x3FFE];
	_ =	sdelay $0x1  }
0x8a: {  	s1 =	srdreg.scid  }
0x8b: {  	s0 =	sand.u32 $0x1, s1  }
0x8c: {  	s18 =	sshll.u32 s0, $0xA;
	s2 =	sadd.s32 s3, s2  }
0x8d: {  	s2 =	sadd.s32 s2, s18  }
0x8e: {  	[smem:$0x3FC6] =	sst s2  }
0x8f: {  	_ = 	snop  }
0x90: {  	s2 =	sld [smem:$0x3FC9]  }
0x91: {  	s19 =	sld [smem:$0x3FC8]  }
0x92: {  	s4 =	sld [smem:$0x3FD0];
	(tm) =	ssettm $0x1  }
0x93: {  	s5 =	sld [smem:$0x3FFB];
	_ =	sdelay $0x3  }
0x94: {  	_ =	strace s5  }
0x95: {  	s5 =	sld [smem:$0x3FFC];
	_ =	sdelay $0x3  }
0x96: {  	_ =	strace s5  }
0x97: {  	s5 =	sld [smem:$0x3FFD];
	_ =	sdelay $0x3  }
0x98: {  	_ =	strace s5  }
0x99: {  	_ =	strace $0x8FFFFFFF  }
0x9a: {  	s20 =	sld [smem:$0x3FDB];
	_ =	sdelay $0x1  }
0x9b: {  	s6 =	simm.s32 $_scs_section_size  }
0x9c: {  	s7 =	simm.s32 $_size__tile_overlayer_lowered;
	s8 =	simm.s32 $_tile_overlayer_lowered  }
0x9d: {  	s23 =	simm.s32 $0x1BFF;
	s22 =	sshll.u32 s8, $0x1;
	s5 =	sadd.s32 s6, s20  }
0x9e: {  	s9 =	simm.s32 $0x0;
	s21 =	sshll.u32 s7, $0x1;
	s7 =	sadd.s32 s22, s5  }
0x9f: {  	[timem:s9], [sflag:s23] =	dma.local [hbm:s7], s21  }
0xa0: {  	_ =	swait.ge [sflag:s23], s21  }
0xa1: {  	s6 =	ssub.s32 $0x0, s21;
	[sflag:s23] =	ssyncset.done $0x0  }
0xa2: {  	[sflag:s23] =	ssyncadd.s32 s6;
	_ =	sdelay $0x1  }
0xa3: {  	s24 =	simm.s32 $0x1B8B  }
0xa4: {  	_ =	swait.ge [sflag:s24], $0x1  }
0xa5: {  	[sflag:s24] =	ssyncset.done $0x0  }
0xa6: {  	s25 =	simm.s32 $0x1B8E;
	[sflag:s24] =	ssyncadd.s32 $0xFFFFFFFF  }
0xa7: {  	s26 =	simm.s32 $execute0_lowered;
	[smem:$0x3FD2] =	sst s25  }
0xa8: {  	s6 =	sshll.u32 s26, $0x1;
	_ =	strace $0x80000046;
	[dreg:$0x1] =	wrdreg $0xFFFFFFFF  }
0xa9: {  	s28 =	simm.s32 $_size_execute0_lowered;
	s5 =	sadd.s32 s5, s6;
	[dreg:$0x0] =	wrdreg $0x0  }
0xaa: {  	s6 =	sshll.u32 s28, $0x1;
	[dreg:$0x2] =	wrdreg s5  }
0xab: {  	[dreg:$0x3] =	wrdreg s6  }
0xac: {  	[dreg:$0x4] =	wrdreg $0xC0  }
0xad: {  	_ =	task [dreg:s9], $0x5FFFF  }
0xae: {  	[dreg:$0x1] =	wrdreg $0xFFFFFFFF  }
0xaf: {  	[dreg:$0x0] =	wrdreg $0x60  }
0xb0: {  	[dreg:$0x2] =	wrdreg s2  }
0xb1: {  	[dreg:$0x3] =	wrdreg s19  }
0xb2: {  	[dreg:$0x4] =	wrdreg s4  }
0xb3: {  	[dreg:$0x5] =	wrdreg $0x9  }
0xb4: {  	_ =	task.clear_ibuf [dreg:s9], $0x6FFFF;
	_ =	strace $0x90000046  }
0xb5: {  	s29 =	simm.s32 $0x9;
	_ =	strace $0x80000048  }
0xb6: {  	_ =	swait.ge [sflag:s29], $0x1  }
0xb7: {  	[sflag:s29] =	ssyncadd.s32 $0xFFFFFFFF  }
0xb8: {  	_ =	strace $0x90000048  }
0xb9: {  	_ =	sfence  }
0xba: {  	s30 =	sld [smem:$0x0];
	_ =	sdelay $0x2  }
0xbb: {  	s31 =	sshll.u32 s1, $0xD;
	s1 =	sshrl.u32 s1, $0x2  }
0xbc: {  	s3 =	sand.u32 $0x4000, s31;
	s1 =	sadd.s32 s1, s30  }
0xbd: {  	s0 =	sor.u32 s3, s0;
	s1 =	sshll.u32 s1, $0x11  }
0xbe: {  	s0 =	sor.u32 s1, s0  }
0xbf: {  	s0 =	sadd.s32 $0x8F2B, s0  }
0xc0: {  	[sflag:s0] =	ssyncadd.remote.s32 $0x1  }
0xc1: {  	_ =	sfence.sel $0xFFFF  }
0xc2: {  	[dreg:$0x0] =	wrdreg $0xFFFFFFFF;
	(pc) =	sbr.abs _section_cstart, $3  }
0xc3: {  	[dreg:$0x1] =	wrdreg $0xFFFFFFFF  }
0xc4: {  	_ =	task.clear_ibuf [dreg:s9], $0x2FFFF;
	_ =	strace $0x9FFFFFFF  }
0xc5: {  	(tm) =	ssettm $0x7FFFFFFF  }
tec
execute0_lowered:
.L_overlay_start_1:
0x0: {  	(tag) =	ssettag $0x1  }
0x1: {  	s1 =	rddreg [dreg:$0x0]  }
0x2: {  	s0 =	srdreg.scid;
	s24 =	rddreg [dreg:$0x1]  }
0x3: {  	s6 =	stileid.u32;
	s4 =	rddreg [dreg:$0x2];
	s3 =	simm.s32 $0x0  }
0x4: {  	s25 =	simm.s32 $0x180;
	s26 =	simm.s32 $0x0;
	s0 =	sand.u32 $0x1, s0  }
0x5: {  	[smem:$0x7FF] =	sst s3;
	s22 =	sadd.s32 $0x180, s24;
	s23 =	sadd.s32 $0x300, s24  }
0x6: {  	s24 =	sadd.s32 $0x480, s24;
	s2 =	sshll.u32 s0, $0x4;
	_ =	strace $0x80000047  }
0x7: {  	s0 =	ssub.s32 $0x2, s0;
	s2 =	sor.u32 s6, s2;
	s6 =	sshll.u32 s6, $0x7  }
0x8: {  	s7 =	sshrl.u32 s0, $0x1;
	s5 =	sshrl.u32 s2, $0x3;
	s2 =	smul.u32 $0x6000, s2  }
0x9: {  	s6 =	sand.u32 $0x380, s6;
	s0 =	ssub.s32 s0, s7;
	s5 =	smul.u32 $0xC00, s5  }
0xa: {  	s21 =	smax.u32 s0, $0x1;
	s0 =	simm.s32 $0x2;
	s2 =	sshrl.u32 s2, $0x3  }
0xb: {  	s5 =	sor.u32 s6, s5;
	s4 =	sadd.s32 s4, s2;
	s2 =	simm.s32 $0x1  }
0xc: {  	s5 =	sshrl.u32 s5, $0x3;
	s6 =	sadd.s32 $0x18000, s4;
	s7 =	sadd.s32 $0x30000, s4  }
0xd: {  	s8 =	sadd.s32 $0x48000, s4;
	s9 =	sadd.s32 $0x60000, s4;
	s10 =	sadd.s32 $0x78000, s4  }
0xe: {  	s11 =	sadd.s32 $0x90000, s4;
	s12 =	sadd.s32 $0xA8000, s4;
	s13 =	sadd.s32 $0xC0000, s4  }
0xf: {  	s14 =	sadd.s32 $0xD8000, s4;
	s15 =	sadd.s32 $0xF0000, s4;
	s16 =	sadd.s32 $0x108000, s4  }
0x10: {  	s17 =	sadd.s32 $0x120000, s4;
	s18 =	sadd.s32 $0x138000, s4;
	s19 =	sadd.s32 $0x150000, s4  }
0x11: {  	s20 =	sadd.s32 $0x168000, s4;
	s5 =	sadd.s32 s1, s5;
	s1 =	simm.s32 $0x3  }
.LBB2_1:
0x12: {  	s28 =	rddreg [dreg:$0x1]  }
0x13: {  	[tilespmem:s25], [sflag:$0x2] =	stream.linear.gather [hbm4b:s28+s3], $0xC00, $0x38;
	[tilespmem:$0x6180] =	vst v63  }
0x14: {  	s28 =	simm.s32 $0x1980  }
0x15: {  	[tilespmem:s28], [sflag:$0x2] =	stream.linear.gather [hbm4b:s22+s3], $0xC00, $0x38;
	[tilespmem:$0x6180] =	vst v63  }
0x16: {  	s28 =	simm.s32 $0x3180  }
0x17: {  	[tilespmem:s28], [sflag:$0x2] =	stream.linear.gather [hbm4b:s23+s3], $0xC00, $0x38;
	[tilespmem:$0x6180] =	vst v63  }
0x18: {  	s28 =	simm.s32 $0x4980  }
0x19: {  	[tilespmem:s28], [sflag:$0x2] =	stream.linear.gather [hbm4b:s24+s3], $0xC00, $0x38;
	[tilespmem:$0x6180] =	vst v63  }
0x1a: {  	s29 =	simm.s32 $0x400;
	s28 =	simm.s32 $0x80  }
0x1b: {  	[tilespmem:s3], [sflag:$0x3] =	stream.strided.gather [hbm4b:s5+s28], $0x180, s29, s28, $0x38;
	[tilespmem:$0x6180] =	vst v63  }
0x1c: {  	_ =	swait.ge [sflag:s1], $0x180  }
0x1d: {  	[sflag:s1] =	ssyncset.done $0x0  }
0x1e: {  	[sflag:s1] =	ssyncadd.s32 $0xFFFFFE80  }
0x1f: {  	s28 =	simm.s32 $0x0;
	v0 =	vld [tilespmem:$0x0]  }
0x20: {  	s28 =	smul.u32 $0x6000, s28;
	_ =	sdelay $0x1  }
0x21: {  	s29 =	sand.u32 $0x380, s3;
	s28 =	sshra.s32 s28, $0x2  }
0x22: {  	s28 =	sor.u32 s29, s28  }
0x23: {  	[tilespmem:s28+$0xD80] =	vst v0  }
0x24: {  	v0 =	vld [tilespmem:$0x10];
	_ =	sdelay $0x4  }
0x25: {  	[tilespmem:s28+$0xD90] =	vst v0  }
0x26: {  	v0 =	vld [tilespmem:$0x20];
	_ =	sdelay $0x4  }
0x27: {  	[tilespmem:s28+$0xDA0] =	vst v0  }
0x28: {  	v0 =	vld [tilespmem:$0x30];
	_ =	sdelay $0x4  }
0x29: {  	[tilespmem:s28+$0xDB0] =	vst v0  }
0x2a: {  	v0 =	vld [tilespmem:$0x40];
	_ =	sdelay $0x4  }
0x2b: {  	[tilespmem:s28+$0xDC0] =	vst v0  }
0x2c: {  	v0 =	vld [tilespmem:$0x50];
	_ =	sdelay $0x4  }
0x2d: {  	[tilespmem:s28+$0xDD0] =	vst v0  }
0x2e: {  	v0 =	vld [tilespmem:$0x60];
	_ =	sdelay $0x4  }
0x2f: {  	[tilespmem:s28+$0xDE0] =	vst v0  }
0x30: {  	v0 =	vld [tilespmem:$0x70];
	_ =	sdelay $0x4  }
0x31: {  	[tilespmem:s28+$0xDF0] =	vst v0  }
0x32: {  	v0 =	vld [tilespmem:$0x80];
	_ =	sdelay $0x4  }
0x33: {  	[tilespmem:s28+$0x1180] =	vst v0  }
0x34: {  	v0 =	vld [tilespmem:$0x90];
	_ =	sdelay $0x4  }
0x35: {  	[tilespmem:s28+$0x1190] =	vst v0  }
0x36: {  	v0 =	vld [tilespmem:$0xA0];
	_ =	sdelay $0x4  }
0x37: {  	[tilespmem:s28+$0x11A0] =	vst v0  }
0x38: {  	v0 =	vld [tilespmem:$0xB0];
	_ =	sdelay $0x4  }
0x39: {  	[tilespmem:s28+$0x11B0] =	vst v0  }
0x3a: {  	v0 =	vld [tilespmem:$0xC0];
	_ =	sdelay $0x4  }
0x3b: {  	[tilespmem:s28+$0x11C0] =	vst v0  }
0x3c: {  	v0 =	vld [tilespmem:$0xD0];
	_ =	sdelay $0x4  }
0x3d: {  	[tilespmem:s28+$0x11D0] =	vst v0  }
0x3e: {  	v0 =	vld [tilespmem:$0xE0];
	_ =	sdelay $0x4  }
0x3f: {  	[tilespmem:s28+$0x11E0] =	vst v0  }
0x40: {  	v0 =	vld [tilespmem:$0xF0];
	_ =	sdelay $0x4  }
0x41: {  	[tilespmem:s28+$0x11F0] =	vst v0  }
0x42: {  	v0 =	vld [tilespmem:$0x100];
	_ =	sdelay $0x4  }
0x43: {  	[tilespmem:s28+$0x1580] =	vst v0  }
0x44: {  	v0 =	vld [tilespmem:$0x110];
	_ =	sdelay $0x4  }
0x45: {  	[tilespmem:s28+$0x1590] =	vst v0  }
0x46: {  	v0 =	vld [tilespmem:$0x120];
	_ =	sdelay $0x4  }
0x47: {  	[tilespmem:s28+$0x15A0] =	vst v0  }
0x48: {  	v0 =	vld [tilespmem:$0x130];
	_ =	sdelay $0x4  }
0x49: {  	[tilespmem:s28+$0x15B0] =	vst v0  }
0x4a: {  	v0 =	vld [tilespmem:$0x140];
	_ =	sdelay $0x4  }
0x4b: {  	[tilespmem:s28+$0x15C0] =	vst v0  }
0x4c: {  	v0 =	vld [tilespmem:$0x150];
	_ =	sdelay $0x4  }
0x4d: {  	[tilespmem:s28+$0x15D0] =	vst v0  }
0x4e: {  	v0 =	vld [tilespmem:$0x160];
	_ =	sdelay $0x4  }
0x4f: {  	[tilespmem:s28+$0x15E0] =	vst v0  }
0x50: {  	v0 =	vld [tilespmem:$0x170];
	_ =	sdelay $0x4  }
0x51: {  	[tilespmem:s28+$0x15F0] =	vst v0  }
0x52: {  	s30 =	simm.s32 $0x0;
	s29 =	simm.s32 $0x2;
	s28 =	simm.s32 $0x0;
	v0 =	vld [tilespmem:$0x0]  }
.LBB2_2:
0x53: {  	p0 =	sne.s32 s29, $0x1F;
	s30 =	smul.u32 $0x6000, s30  }
0x54: {  	s28 =	sadd.s32 $0x80, s28  }
0x55: {  	s31 =	sand.u32 $0x380, s28;
	s30 =	sshra.s32 s30, $0x2  }
0x56: {  	s30 =	sor.u32 s31, s30  }
0x57: {  	[tilespmem:s30+$0xD80] =	vst v0  }
0x58: {  	v0 =	vld [tilespmem:$0x10];
	_ =	sdelay $0x4  }
0x59: {  	[tilespmem:s30+$0xD90] =	vst v0  }
0x5a: {  	v0 =	vld [tilespmem:$0x20];
	_ =	sdelay $0x4  }
0x5b: {  	[tilespmem:s30+$0xDA0] =	vst v0  }
0x5c: {  	v0 =	vld [tilespmem:$0x30];
	_ =	sdelay $0x4  }
0x5d: {  	[tilespmem:s30+$0xDB0] =	vst v0  }
0x5e: {  	v0 =	vld [tilespmem:$0x40];
	_ =	sdelay $0x4  }
0x5f: {  	[tilespmem:s30+$0xDC0] =	vst v0  }
0x60: {  	v0 =	vld [tilespmem:$0x50];
	_ =	sdelay $0x4  }
0x61: {  	[tilespmem:s30+$0xDD0] =	vst v0  }
0x62: {  	v0 =	vld [tilespmem:$0x60];
	_ =	sdelay $0x4  }
0x63: {  	[tilespmem:s30+$0xDE0] =	vst v0  }
0x64: {  	v0 =	vld [tilespmem:$0x70];
	_ =	sdelay $0x4  }
0x65: {  	[tilespmem:s30+$0xDF0] =	vst v0  }
0x66: {  	v0 =	vld [tilespmem:$0x80];
	_ =	sdelay $0x4  }
0x67: {  	[tilespmem:s30+$0x1180] =	vst v0  }
0x68: {  	v0 =	vld [tilespmem:$0x90];
	_ =	sdelay $0x4  }
0x69: {  	[tilespmem:s30+$0x1190] =	vst v0  }
0x6a: {  	v0 =	vld [tilespmem:$0xA0];
	_ =	sdelay $0x4  }
0x6b: {  	[tilespmem:s30+$0x11A0] =	vst v0  }
0x6c: {  	v0 =	vld [tilespmem:$0xB0];
	_ =	sdelay $0x4  }
0x6d: {  	[tilespmem:s30+$0x11B0] =	vst v0  }
0x6e: {  	v0 =	vld [tilespmem:$0xC0];
	_ =	sdelay $0x4  }
0x6f: {  	[tilespmem:s30+$0x11C0] =	vst v0  }
0x70: {  	v0 =	vld [tilespmem:$0xD0];
	_ =	sdelay $0x4  }
0x71: {  	[tilespmem:s30+$0x11D0] =	vst v0  }
0x72: {  	v0 =	vld [tilespmem:$0xE0];
	_ =	sdelay $0x4  }
0x73: {  	[tilespmem:s30+$0x11E0] =	vst v0  }
0x74: {  	v0 =	vld [tilespmem:$0xF0];
	_ =	sdelay $0x4  }
0x75: {  	[tilespmem:s30+$0x11F0] =	vst v0  }
0x76: {  	v0 =	vld [tilespmem:$0x100];
	_ =	sdelay $0x4  }
0x77: {  	[tilespmem:s30+$0x1580] =	vst v0  }
0x78: {  	v0 =	vld [tilespmem:$0x110];
	_ =	sdelay $0x4  }
0x79: {  	[tilespmem:s30+$0x1590] =	vst v0  }
0x7a: {  	v0 =	vld [tilespmem:$0x120];
	_ =	sdelay $0x4  }
0x7b: {  	[tilespmem:s30+$0x15A0] =	vst v0  }
0x7c: {  	v0 =	vld [tilespmem:$0x130];
	_ =	sdelay $0x4  }
0x7d: {  	[tilespmem:s30+$0x15B0] =	vst v0  }
0x7e: {  	v0 =	vld [tilespmem:$0x140];
	_ =	sdelay $0x4  }
0x7f: {  	[tilespmem:s30+$0x15C0] =	vst v0  }
0x80: {  	v0 =	vld [tilespmem:$0x150];
	_ =	sdelay $0x4  }
0x81: {  	[tilespmem:s30+$0x15D0] =	vst v0  }
0x82: {  	v0 =	vld [tilespmem:$0x160];
	_ =	sdelay $0x4  }
0x83: {  	[tilespmem:s30+$0x15E0] =	vst v0  }
0x84: {  	v0 =	vld [tilespmem:$0x170];
	_ =	sdelay $0x1  }
.Ltmp0:
0x85: {  	(pc) =	sbr.rel @p0 .LBB2_2-.Ltmp0, $3  }
0x86: {  	_ =	sdelay $0x1  }
0x87: {  	[tilespmem:s30+$0x15F0] =	vst v0  }
0x88: {  	s30 =	sshrl.u32 s29, $0x3;
	s29 =	sadd.s32 $0x1, s29;
	v0 =	vld [tilespmem:$0x0]  }
0x89: {  	s29 =	smul.u32 $0x6000, s30  }
0x8a: {  	s28 =	sadd.s32 $0x80, s28  }
0x8b: {  	s28 =	sand.u32 $0x380, s28;
	s29 =	sshra.s32 s29, $0x2  }
0x8c: {  	s28 =	sor.u32 s28, s29  }
0x8d: {  	[tilespmem:s28+$0xD80] =	vst v0  }
0x8e: {  	v0 =	vld [tilespmem:$0x10];
	_ =	sdelay $0x4  }
0x8f: {  	[tilespmem:s28+$0xD90] =	vst v0  }
0x90: {  	v0 =	vld [tilespmem:$0x20];
	_ =	sdelay $0x4  }
0x91: {  	[tilespmem:s28+$0xDA0] =	vst v0  }
0x92: {  	v0 =	vld [tilespmem:$0x30];
	_ =	sdelay $0x4  }
0x93: {  	[tilespmem:s28+$0xDB0] =	vst v0  }
0x94: {  	v0 =	vld [tilespmem:$0x40];
	_ =	sdelay $0x4  }
0x95: {  	[tilespmem:s28+$0xDC0] =	vst v0  }
0x96: {  	v0 =	vld [tilespmem:$0x50];
	_ =	sdelay $0x4  }
0x97: {  	[tilespmem:s28+$0xDD0] =	vst v0  }
0x98: {  	v0 =	vld [tilespmem:$0x60];
	_ =	sdelay $0x4  }
0x99: {  	[tilespmem:s28+$0xDE0] =	vst v0  }
0x9a: {  	v0 =	vld [tilespmem:$0x70];
	_ =	sdelay $0x4  }
0x9b: {  	[tilespmem:s28+$0xDF0] =	vst v0  }
0x9c: {  	v0 =	vld [tilespmem:$0x80];
	_ =	sdelay $0x4  }
0x9d: {  	[tilespmem:s28+$0x1180] =	vst v0  }
0x9e: {  	v0 =	vld [tilespmem:$0x90];
	_ =	sdelay $0x4  }
0x9f: {  	[tilespmem:s28+$0x1190] =	vst v0  }
0xa0: {  	v0 =	vld [tilespmem:$0xA0];
	_ =	sdelay $0x4  }
0xa1: {  	[tilespmem:s28+$0x11A0] =	vst v0  }
0xa2: {  	v0 =	vld [tilespmem:$0xB0];
	_ =	sdelay $0x4  }
0xa3: {  	[tilespmem:s28+$0x11B0] =	vst v0  }
0xa4: {  	v0 =	vld [tilespmem:$0xC0];
	_ =	sdelay $0x4  }
0xa5: {  	[tilespmem:s28+$0x11C0] =	vst v0  }
0xa6: {  	v0 =	vld [tilespmem:$0xD0];
	_ =	sdelay $0x4  }
0xa7: {  	[tilespmem:s28+$0x11D0] =	vst v0  }
0xa8: {  	v0 =	vld [tilespmem:$0xE0];
	_ =	sdelay $0x4  }
0xa9: {  	[tilespmem:s28+$0x11E0] =	vst v0  }
0xaa: {  	v0 =	vld [tilespmem:$0xF0];
	_ =	sdelay $0x4  }
0xab: {  	[tilespmem:s28+$0x11F0] =	vst v0  }
0xac: {  	v0 =	vld [tilespmem:$0x100];
	_ =	sdelay $0x4  }
0xad: {  	[tilespmem:s28+$0x1580] =	vst v0  }
0xae: {  	v0 =	vld [tilespmem:$0x110];
	_ =	sdelay $0x4  }
0xaf: {  	[tilespmem:s28+$0x1590] =	vst v0  }
0xb0: {  	v0 =	vld [tilespmem:$0x120];
	_ =	sdelay $0x4  }
0xb1: {  	[tilespmem:s28+$0x15A0] =	vst v0  }
0xb2: {  	v0 =	vld [tilespmem:$0x130];
	_ =	sdelay $0x4  }
0xb3: {  	[tilespmem:s28+$0x15B0] =	vst v0  }
0xb4: {  	v0 =	vld [tilespmem:$0x140];
	_ =	sdelay $0x4  }
0xb5: {  	[tilespmem:s28+$0x15C0] =	vst v0  }
0xb6: {  	v0 =	vld [tilespmem:$0x150];
	_ =	sdelay $0x4  }
0xb7: {  	[tilespmem:s28+$0x15D0] =	vst v0  }
0xb8: {  	v0 =	vld [tilespmem:$0x160];
	_ =	sdelay $0x4  }
0xb9: {  	[tilespmem:s28+$0x15E0] =	vst v0  }
0xba: {  	v0 =	vld [tilespmem:$0x170];
	_ =	sdelay $0x4  }
0xbb: {  	[tilespmem:s28+$0x15F0] =	vst v0  }
0xbc: {  	_ =	swait.ge [sflag:s0], $0x3000  }
0xbd: {  	[sflag:s0] =	ssyncset.done $0x0  }
0xbe: {  	[sflag:s0] =	ssyncadd.s32 $0xFFFFD000  }
0xbf: {  	[hbm4b:s4+s3] =	stream.linear.scatter [tilespmem:s25], [sflag:$0x1], $0x6000, $0x38;
	[tilespmem:$0x6180] =	vst v63  }
0xc0: {  	_ = 	snop  }
0xc1: {  	[hbm4b:s6+s3] =	stream.linear.scatter [tilespmem:s25], [sflag:$0x1], $0x6000, $0x38;
	[tilespmem:$0x6180] =	vst v63  }
0xc2: {  	_ = 	snop  }
0xc3: {  	[hbm4b:s7+s3] =	stream.linear.scatter [tilespmem:s25], [sflag:$0x1], $0x6000, $0x38;
	[tilespmem:$0x6180] =	vst v63  }
0xc4: {  	_ = 	snop  }
0xc5: {  	[hbm4b:s8+s3] =	stream.linear.scatter [tilespmem:s25], [sflag:$0x1], $0x6000, $0x38;
	[tilespmem:$0x6180] =	vst v63  }
0xc6: {  	_ = 	snop  }
0xc7: {  	[hbm4b:s9+s3] =	stream.linear.scatter [tilespmem:s25], [sflag:$0x1], $0x6000, $0x38;
	[tilespmem:$0x6180] =	vst v63  }
0xc8: {  	_ = 	snop  }
0xc9: {  	[hbm4b:s10+s3] =	stream.linear.scatter [tilespmem:s25], [sflag:$0x1], $0x6000, $0x38;
	[tilespmem:$0x6180] =	vst v63  }
0xca: {  	_ = 	snop  }
0xcb: {  	[hbm4b:s11+s3] =	stream.linear.scatter [tilespmem:s25], [sflag:$0x1], $0x6000, $0x38;
	[tilespmem:$0x6180] =	vst v63  }
0xcc: {  	_ = 	snop  }
0xcd: {  	[hbm4b:s12+s3] =	stream.linear.scatter [tilespmem:s25], [sflag:$0x1], $0x6000, $0x38;
	[tilespmem:$0x6180] =	vst v63  }
0xce: {  	_ = 	snop  }
0xcf: {  	[hbm4b:s13+s3] =	stream.linear.scatter [tilespmem:s25], [sflag:$0x1], $0x6000, $0x38;
	[tilespmem:$0x6180] =	vst v63  }
0xd0: {  	_ = 	snop  }
0xd1: {  	[hbm4b:s14+s3] =	stream.linear.scatter [tilespmem:s25], [sflag:$0x1], $0x6000, $0x38;
	[tilespmem:$0x6180] =	vst v63  }
0xd2: {  	_ = 	snop  }
0xd3: {  	[hbm4b:s15+s3] =	stream.linear.scatter [tilespmem:s25], [sflag:$0x1], $0x6000, $0x38;
	[tilespmem:$0x6180] =	vst v63  }
0xd4: {  	_ = 	snop  }
0xd5: {  	[hbm4b:s16+s3] =	stream.linear.scatter [tilespmem:s25], [sflag:$0x1], $0x6000, $0x38;
	[tilespmem:$0x6180] =	vst v63  }
0xd6: {  	_ = 	snop  }
0xd7: {  	[hbm4b:s17+s3] =	stream.linear.scatter [tilespmem:s25], [sflag:$0x1], $0x6000, $0x38;
	[tilespmem:$0x6180] =	vst v63  }
0xd8: {  	_ = 	snop  }
0xd9: {  	[hbm4b:s18+s3] =	stream.linear.scatter [tilespmem:s25], [sflag:$0x1], $0x6000, $0x38;
	[tilespmem:$0x6180] =	vst v63  }
0xda: {  	_ = 	snop  }
0xdb: {  	[hbm4b:s19+s3] =	stream.linear.scatter [tilespmem:s25], [sflag:$0x1], $0x6000, $0x38;
	[tilespmem:$0x6180] =	vst v63  }
0xdc: {  	_ = 	snop  }
0xdd: {  	[hbm4b:s20+s3] =	stream.linear.scatter [tilespmem:s25], [sflag:$0x1], $0x6000, $0x38;
	[tilespmem:$0x6180] =	vst v63  }
0xde: {  	_ =	swait.ge [sflag:s2], $0x6000  }
0xdf: {  	[sflag:s2] =	ssyncset.done $0x0  }
0xe0: {  	[sflag:s2] =	ssyncadd.s32 $0xFFFFA000  }
0xe1: {  	_ =	swait.ge [sflag:s2], $0x6000  }
0xe2: {  	[sflag:s2] =	ssyncset.done $0x0  }
0xe3: {  	[sflag:s2] =	ssyncadd.s32 $0xFFFFA000  }
0xe4: {  	_ =	swait.ge [sflag:s2], $0x6000  }
0xe5: {  	[sflag:s2] =	ssyncset.done $0x0  }
0xe6: {  	[sflag:s2] =	ssyncadd.s32 $0xFFFFA000  }
0xe7: {  	_ =	swait.ge [sflag:s2], $0x6000  }
0xe8: {  	[sflag:s2] =	ssyncset.done $0x0  }
0xe9: {  	[sflag:s2] =	ssyncadd.s32 $0xFFFFA000  }
0xea: {  	_ =	swait.ge [sflag:s2], $0x6000  }
0xeb: {  	[sflag:s2] =	ssyncset.done $0x0  }
0xec: {  	[sflag:s2] =	ssyncadd.s32 $0xFFFFA000  }
0xed: {  	_ =	swait.ge [sflag:s2], $0x6000  }
0xee: {  	[sflag:s2] =	ssyncset.done $0x0  }
0xef: {  	[sflag:s2] =	ssyncadd.s32 $0xFFFFA000  }
0xf0: {  	_ =	swait.ge [sflag:s2], $0x6000  }
0xf1: {  	[sflag:s2] =	ssyncset.done $0x0  }
0xf2: {  	[sflag:s2] =	ssyncadd.s32 $0xFFFFA000  }
0xf3: {  	_ =	swait.ge [sflag:s2], $0x6000  }
0xf4: {  	[sflag:s2] =	ssyncset.done $0x0  }
0xf5: {  	[sflag:s2] =	ssyncadd.s32 $0xFFFFA000  }
0xf6: {  	_ =	swait.ge [sflag:s2], $0x6000  }
0xf7: {  	[sflag:s2] =	ssyncset.done $0x0  }
0xf8: {  	[sflag:s2] =	ssyncadd.s32 $0xFFFFA000  }
0xf9: {  	_ =	swait.ge [sflag:s2], $0x6000  }
0xfa: {  	[sflag:s2] =	ssyncset.done $0x0  }
0xfb: {  	[sflag:s2] =	ssyncadd.s32 $0xFFFFA000  }
0xfc: {  	_ =	swait.ge [sflag:s2], $0x6000  }
0xfd: {  	[sflag:s2] =	ssyncset.done $0x0  }
0xfe: {  	[sflag:s2] =	ssyncadd.s32 $0xFFFFA000  }
0xff: {  	_ =	swait.ge [sflag:s2], $0x6000  }
0x100: {  	[sflag:s2] =	ssyncset.done $0x0  }
0x101: {  	[sflag:s2] =	ssyncadd.s32 $0xFFFFA000  }
0x102: {  	_ =	swait.ge [sflag:s2], $0x6000  }
0x103: {  	[sflag:s2] =	ssyncset.done $0x0  }
0x104: {  	[sflag:s2] =	ssyncadd.s32 $0xFFFFA000  }
0x105: {  	_ =	swait.ge [sflag:s2], $0x6000  }
0x106: {  	[sflag:s2] =	ssyncset.done $0x0  }
0x107: {  	s26 =	sadd.s32 $0x1, s26;
	[sflag:s2] =	ssyncadd.s32 $0xFFFFA000  }
0x108: {  	p0 =	sne.s32 s26, s21;
	_ =	swait.ge [sflag:s2], $0x6000  }
.Ltmp1:
0x109: {  	[sflag:s2] =	ssyncset.done $0x0;
	(pc) =	sbr.rel @p0 .LBB2_1-.Ltmp1, $4  }
0x10a: {  	[sflag:s2] =	ssyncadd.s32 $0xFFFFA000  }
0x10b: {  	_ =	swait.ge [sflag:s2], $0x6000  }
0x10c: {  	[sflag:s2] =	ssyncset.done $0x0  }
0x10d: {  	[sflag:s2] =	ssyncadd.s32 $0xFFFFA000  }
0x10e: {  	_ =	sfence.sel $0x180000  }
0x10f: {  	[bflag:$0x0] =	sbarrier.arrive $0xFFFF  }
0x110: {  	_ =	strace $0x90000047  }
0x111: {  	s0 =	stileid.u32;
	[bflag:$0x2] =	sbarrier.arrive $0xFFFF  }
0x112: {  	p0 =	sne.s32 s0, $0x0;
	s0 =	rddreg [dreg:$0x3]  }
0x113: {  	s0 =	sadd.s32 @!p0 $0x100000, s0  }
0x114: {  	[sflag:s0] =	ssyncadd.tile.s32 @!p0 $0x1;
	_ =	shalt  }
.Lfunc_end2:
_tile_overlayer_lowered:
.L_overlay_start_2:
0x115: {  	(tag) =	ssettag $0x2  }
0x116: {  	s0 =	rddreg [dreg:$0x0];
	s2 =	stileid.u32  }
0x117: {  	s1 =	rddreg [dreg:$0x1];
	p0 =	sne.s32 s2, $0x0  }
0x118: {  	s3 =	rddreg [dreg:$0x2];
	[bflag:$0x3] =	sbarrier.arrive $0xFFFF;
	s2 =	simm.s32 @!p0 $0x1C04  }
0x119: {  	[timem:s3], [sflag:s2] =	dma.local @!p0 [hbm:s0], s1  }
0x11a: {  	s0 =	simm.s32 @!p0 $0x4  }
0x11b: {  	_ =	swait.ge @!p0 [sflag:s0], s1  }
0x11c: {  	s1 =	ssub.s32 @!p0 $0x0, s1;
	[sflag:s0] =	ssyncset.done @!p0 $0x0  }
0x11d: {  	[sflag:s0] =	ssyncadd.s32 @!p0 s1  }
0x11e: {  	[bflag:$0x3] =	sbarrier.arrive $0xFFFF  }
0x11f: {  	_ =	shalt  }

</sc_bundles>
